<compile_context>
chip_gen: v7x
topology: tpu7x:2x2x1
jax: 0.10.2.dev20260603
libtpu: 0.0.44.dev20260713+nightly
codegen_flags: <defaults>
</compile_context>

<pallas_src>
import dataclasses
import functools

import jax
import jax.numpy as jnp
from jax import lax
from jax.experimental import pallas as pl
from jax.experimental.pallas import tpu as pltpu
from jax.experimental.pallas import tpu_sc as plsc

NC, NS, NL = 2, 16, 16
NW = NC * NS


def _sc_compiler_params():
    cp = pltpu.CompilerParams(use_tc_tiling_on_sc=True)
    if "needs_layout_passes" in pltpu.CompilerParams.__dataclass_fields__:
        cp = dataclasses.replace(cp, needs_layout_passes=False)
    return cp


def _wid():
    return lax.axis_index("s") * NC + lax.axis_index("c")


def _sc_gather_and_winners(table, idx, own):
    B = idx.shape[0]
    D = table.shape[1]
    bpw = B // NW
    n_vregs = B // NL
    pos_bits = 14
    assert B <= (1 << pos_bits)

    def body(table_hbm, idx_hbm, rows_out, tab_out, idx_v, rows_v, tab_v, sem):
        w = _wid()
        base = w * bpw
        pltpu.sync_copy(idx_hbm, idx_v)
        gather_dma = pltpu.async_copy(
            table_hbm.at[idx_v.at[pl.ds(base, bpw)]], rows_v, sem)

        lo = w * own
        iota = lax.iota(jnp.int32, NL)
        shift = jnp.minimum(iota + 1, NL - 1)
        lane_last = iota == NL - 1
        shift_dn = lax.GatherDimensionNumbers(
            offset_dims=(), collapsed_slice_dims=(0,), start_index_map=(0,))

        unroll = 4

        @pl.loop(0, n_vregs, step=unroll)
        def _(c):
            for k in range(unroll):
                ids16 = idx_v[pl.ds((c + k) * NL, NL)]
                pos16 = (c + k) * NL + iota
                comb = lax.sort((ids16 << pos_bits) | pos16)
                ids_s = comb >> pos_bits
                pos_s = comb & ((1 << pos_bits) - 1)
                nxt = lax.gather(ids_s, shift[:, None], shift_dn,
                                 slice_sizes=(1,),
                                 mode=lax.GatherScatterMode.PROMISE_IN_BOUNDS)
                run_last = (ids_s != nxt) | lane_last
                local = ids_s - lo
                owned = plsc.bitcast(local, jnp.uint32) < jnp.uint32(own)
                plsc.store_scatter(tab_v, [local], pos_s,
                                   mask=run_last & owned)

        pltpu.sync_copy(tab_v, tab_out.at[pl.ds(lo, own)])
        gather_dma.wait()
        pltpu.sync_copy(rows_v, rows_out.at[pl.ds(base, bpw)])

    return pl.kernel(
        body,
        out_type=(
            jax.ShapeDtypeStruct((B, D), table.dtype),
            jax.ShapeDtypeStruct((NW * own,), jnp.int32),
        ),
        mesh=plsc.VectorSubcoreMesh(core_axis_name="c", subcore_axis_name="s"),
        scratch_types=[
            pltpu.VMEM((B,), jnp.int32),
            pltpu.VMEM((bpw, D), table.dtype),
            pltpu.VMEM((own,), jnp.int32),
            pltpu.SemaphoreType.DMA,
        ],
        compiler_params=_sc_compiler_params(),
        cost_estimate=pl.CostEstimate(
            flops=0, transcendentals=0, bytes_accessed=64 * 1024 * 1024),
        name="sc_gather_rows",
    )(table, idx)


def _sc_scatter_inplace(mem_ref, rows, winner_tab, ids):
    B = ids.shape[0]
    D = rows.shape[1]
    bpw = B // NW

    def body(mem_hbm, rows_hbm, tab_hbm, ids_hbm, pos_v, ids_v, rows_v, sem):
        base = _wid() * bpw
        pltpu.sync_copy(ids_hbm.at[pl.ds(base, bpw)], ids_v)
        pltpu.sync_copy(tab_hbm.at[ids_v], pos_v)
        pltpu.async_copy(rows_hbm.at[pos_v], rows_v, sem).wait()
        pltpu.sync_copy(rows_v, mem_hbm.at[ids_v])

    pl.kernel(
        body,
        out_type=(),
        mesh=plsc.VectorSubcoreMesh(core_axis_name="c", subcore_axis_name="s"),
        scratch_types=[
            pltpu.VMEM((bpw,), jnp.int32),
            pltpu.VMEM((bpw,), jnp.int32),
            pltpu.VMEM((bpw, D), rows.dtype),
            pltpu.SemaphoreType.DMA,
        ],
        compiler_params=_sc_compiler_params(),
        cost_estimate=pl.CostEstimate(
            flops=0, transcendentals=0, bytes_accessed=32 * 1024 * 1024),
        name="sc_scatter_rows",
    )(mem_ref, rows, winner_tab, ids)


def _tc_gru(h, messages, W_ih, W_hh, b_ih, b_hh, block_m=2048):
    B, D = h.shape
    cdims = (((1,), (1,)), ((), ()))

    def body(msg_ref, h_ref, wih_ref, whh_ref, bih_ref, bhh_ref, out_ref):
        msg = msg_ref[...]
        hh = h_ref[...]
        gx = lax.dot_general(msg, wih_ref[...], cdims,
                             preferred_element_type=jnp.float32) + bih_ref[...]
        gh = lax.dot_general(hh, whh_ref[...], cdims,
                             preferred_element_type=jnp.float32) + bhh_ref[...]
        xr, xz, xn = gx[:, :D], gx[:, D:2 * D], gx[:, 2 * D:]
        hr, hz, hn = gh[:, :D], gh[:, D:2 * D], gh[:, 2 * D:]
        r = jax.nn.sigmoid(xr + hr)
        z = jax.nn.sigmoid(xz + hz)
        n = jnp.tanh(xn + r * hn)
        out_ref[...] = (1.0 - z) * n + z * hh

    return pl.pallas_call(
        body,
        out_shape=jax.ShapeDtypeStruct((B, D), jnp.float32),
        grid=(B // block_m,),
        in_specs=[
            pl.BlockSpec((block_m, D), lambda i: (i, 0)),
            pl.BlockSpec((block_m, D), lambda i: (i, 0)),
            pl.BlockSpec(W_ih.shape, lambda i: (0, 0)),
            pl.BlockSpec(W_hh.shape, lambda i: (0, 0)),
            pl.BlockSpec((1, 3 * D), lambda i: (0, 0)),
            pl.BlockSpec((1, 3 * D), lambda i: (0, 0)),
        ],
        out_specs=pl.BlockSpec((block_m, D), lambda i: (i, 0)),
        name="tc_gru_cell",
    )(messages, h, W_ih, W_hh, b_ih.reshape(1, -1), b_hh.reshape(1, -1))


def _tc_copy(table, block_rows=10000):
    N, D = table.shape
    nblk = (N + block_rows - 1) // block_rows

    def body(in_hbm, out_hbm, buf0, buf1, sems):
        bufs = (buf0, buf1)

        def in_cp(i, b):
            lo = i * block_rows
            sz = min(block_rows, N - lo)
            return pltpu.make_async_copy(
                in_hbm.at[pl.ds(lo, sz)], bufs[b].at[pl.ds(0, sz)],
                sems.at[b])

        def out_cp(i, b):
            lo = i * block_rows
            sz = min(block_rows, N - lo)
            return pltpu.make_async_copy(
                bufs[b].at[pl.ds(0, sz)], out_hbm.at[pl.ds(lo, sz)],
                sems.at[2 + b])

        for i in range(nblk):
            b = i % 2
            if i >= 2:
                out_cp(i - 2, b).wait()
            in_cp(i, b).start()
            in_cp(i, b).wait()
            out_cp(i, b).start()
        for i in (nblk - 2, nblk - 1):
            if i >= 0:
                out_cp(i, i % 2).wait()

    return pl.pallas_call(
        body,
        out_shape=jax.ShapeDtypeStruct((N, D), table.dtype),
        in_specs=[pl.BlockSpec(memory_space=pltpu.HBM)],
        out_specs=pl.BlockSpec(memory_space=pltpu.HBM),
        scratch_shapes=[
            pltpu.VMEM((block_rows, D), table.dtype),
            pltpu.VMEM((block_rows, D), table.dtype),
            pltpu.SemaphoreType.DMA((4,)),
        ],
        name="tc_copy_table",
    )(table)


def kernel(memory, node_ids, messages, W_ih, W_hh, b_ih, b_hh):
    ids = node_ids.astype(jnp.int32)
    own = ((memory.shape[0] + NW - 1) // NW + 7) // 8 * 8
    h, winner_tab = _sc_gather_and_winners(memory, ids, own)
    h_new = _tc_gru(h, messages, W_ih, W_hh, b_ih, b_hh)
    mem_ref = jax.new_ref(_tc_copy(memory))
    _sc_scatter_inplace(mem_ref, h_new, winner_tab, ids)
    return jax.freeze(mem_ref)

# --- scband reference (transcript-rebuilt; emitter-appended) ---
"""Pipeline reference for scband-memory-module-84000970375258 (READ-ONLY COPY).

The authoritative reference and input builder live on the scoring server;
editing this copy changes nothing except your own understanding.
"""

import jax, jax.numpy as jnp
import numpy as np

NUM_NODES = 100000
MEMORY_DIM = 128
BATCH = 16384


def setup_inputs(seed: int = 0) -> dict:
    key = jax.random.key(seed)
    k1, k2, k3, k4, k5, k6 = jax.random.split(key, 6)
    D = MEMORY_DIM
    bound = 1.0 / np.sqrt(D)
    node_ids = jax.random.randint(k1, (BATCH,), 0, NUM_NODES, dtype=jnp.int64)
    messages = jax.random.normal(k2, (BATCH, D), dtype=jnp.float32)
    # memory state (represents a warmed-up memory; module init is zeros)
    memory = jax.random.normal(k3, (NUM_NODES, D), dtype=jnp.float32) * 0.1
    # GRUCell parameters, PyTorch layout: gates ordered (r, z, n)
    W_ih = jax.random.uniform(k4, (3 * D, D), dtype=jnp.float32, minval=-bound, maxval=bound)
    W_hh = jax.random.uniform(k5, (3 * D, D), dtype=jnp.float32, minval=-bound, maxval=bound)
    b_ih = jax.random.uniform(k6, (3 * D,), dtype=jnp.float32, minval=-bound, maxval=bound)
    b_hh = jax.random.uniform(jax.random.fold_in(key, 7), (3 * D,), dtype=jnp.float32, minval=-bound, maxval=bound)
    return {"memory": memory, "node_ids": node_ids, "messages": messages,
            "W_ih": W_ih, "W_hh": W_hh, "b_ih": b_ih, "b_hh": b_hh}


def reference(memory, node_ids, messages, W_ih, W_hh, b_ih, b_hh):
    D = memory.shape[1]
    # gather current memory for the event nodes
    h = jnp.take(memory, node_ids, axis=0)
    # GRUCell (PyTorch semantics)
    gx = messages @ W_ih.T + b_ih
    gh = h @ W_hh.T + b_hh
    xr, xz, xn = gx[:, :D], gx[:, D:2 * D], gx[:, 2 * D:]
    hr, hz, hn = gh[:, :D], gh[:, D:2 * D], gh[:, 2 * D:]
    r = jax.nn.sigmoid(xr + hr)
    z = jax.nn.sigmoid(xz + hz)
    n = jnp.tanh(xn + r * hn)
    h_new = (1.0 - z) * n + z * h
    # scatter-overwrite updated states back into the memory table
    new_memory = memory.at[node_ids].set(h_new)
    return new_memory

if __name__ == "__main__":
    import jax
    _d = setup_inputs()
    print(jax.jit(kernel)(*tuple(_d.values())))

</pallas_src>

<mosaic_0001>
#map = affine_map<(d0, d1) -> (0, 0)>
#map1 = affine_map<(d0, d1) -> (0)>
module attributes {stable_mosaic.version = 14 : i64} {
  func.func @new_body(%arg0: i32, %arg1: i32, %arg2: memref<100000x128xf32, #tpu.memory_space<hbm>>, %arg3: memref<16384x128xf32, #tpu.memory_space<hbm>>, %arg4: memref<100096xi32, #tpu.memory_space<hbm>>, %arg5: memref<16384xi32, #tpu.memory_space<hbm>>, %arg6: memref<100000x128xf32, #tpu.memory_space<hbm>>, %arg7: memref<512xi32, #tpu.memory_space<vmem>>, %arg8: memref<512xi32, #tpu.memory_space<vmem>>, %arg9: memref<512x128xf32, #tpu.memory_space<vmem>>, %arg10: memref<!tpu.dma_semaphore, #tpu.memory_space<semaphore_mem>>) attributes {dimension_semantics = [#tpu.dimension_semantics<core_parallel>, #tpu.dimension_semantics<subcore_parallel>], iteration_bounds = array<i64: 2, 16>, scalar_prefetch = 0 : i64, scratch_operands = 4 : i64, tpu.core_type = #tpu.core_type<sc_vector_subcore>, window_params = [{transform_indices = #map}, {transform_indices = #map}, {transform_indices = #map1}, {transform_indices = #map1}, {transform_indices = #map}]} {
    %mul3A = arith.constant 2 : i32
    %mul3A_0 = arith.muli %arg1, %mul3A : i32
    %add3A = arith.addi %mul3A_0, %arg0 : i32
    %mul3A_1 = arith.constant 512 : i32
    %mul3A_2 = arith.muli %add3A, %mul3A_1 : i32
    "tpu.region"() ({
      %run_scoped3A = tpu.sem_alloc : memref<!tpu.dma_semaphore, #tpu.memory_space<semaphore_mem>>
      %dma_start3A_7 = tpu.memref_slice %arg5[%mul3A_2] : memref<16384xi32, #tpu.memory_space<hbm>> -> memref<512xi32, #tpu.memory_space<hbm>>
      %dma_start3A_8 = tpu.memref_slice %arg5[%mul3A_2] : memref<16384xi32, #tpu.memory_space<hbm>> -> memref<512xi32, #tpu.memory_space<hbm>>
      tpu.enqueue_dma source(%dma_start3A_8 : memref<512xi32, #tpu.memory_space<hbm>>) target(%arg8 : memref<512xi32, #tpu.memory_space<vmem>>) target_semaphore(%run_scoped3A : memref<!tpu.dma_semaphore, #tpu.memory_space<semaphore_mem>>)
      %dma_wait3A_9 = tpu.memref_slice %arg5[%mul3A_2] : memref<16384xi32, #tpu.memory_space<hbm>> -> memref<512xi32, #tpu.memory_space<hbm>>
      %dma_wait3A_10 = tpu.memref_slice %arg5[%mul3A_2] : memref<16384xi32, #tpu.memory_space<hbm>> -> memref<512xi32, #tpu.memory_space<hbm>>
      tpu.wait_dma2 semaphore(%run_scoped3A : memref<!tpu.dma_semaphore, #tpu.memory_space<semaphore_mem>>) src(%dma_wait3A_10 : memref<512xi32, #tpu.memory_space<hbm>>) dst(%arg8 : memref<512xi32, #tpu.memory_space<vmem>>)
      tpu.yield
    }) : () -> ()
    "tpu.region"() ({
      %run_scoped3A = tpu.sem_alloc : memref<!tpu.dma_semaphore, #tpu.memory_space<semaphore_mem>>
      %dma_start3A_7 = arith.constant 0 : i32
      %dma_start3A_8 = tpu.memref_slice %arg4[%dma_start3A_7] : memref<100096xi32, #tpu.memory_space<hbm>> -> memref<100096xi32, #tpu.memory_space<hbm>>
      tpu.enqueue_indirect_dma source(%dma_start3A_8 : memref<100096xi32, #tpu.memory_space<hbm>>) target(%arg7 : memref<512xi32, #tpu.memory_space<vmem>>) offsets(%arg8 : memref<512xi32, #tpu.memory_space<vmem>>) semaphore(%run_scoped3A : memref<!tpu.dma_semaphore, #tpu.memory_space<semaphore_mem>>)
      %dma_wait3A_9 = arith.constant 0 : i32
      %dma_wait3A_10 = tpu.memref_slice %arg4[%dma_wait3A_9] : memref<100096xi32, #tpu.memory_space<hbm>> -> memref<100096xi32, #tpu.memory_space<hbm>>
      tpu.wait_indirect_dma semaphore(%run_scoped3A : memref<!tpu.dma_semaphore, #tpu.memory_space<semaphore_mem>>) src(%dma_wait3A_10 : memref<100096xi32, #tpu.memory_space<hbm>>) dst(%arg7 : memref<512xi32, #tpu.memory_space<vmem>>)
      tpu.yield
    }) : () -> ()
    %dma_start3A = arith.constant 0 : i32
    %dma_start3A_3 = arith.constant 0 : i32
    %dma_start3A_4 = tpu.memref_slice %arg3[%dma_start3A, %dma_start3A_3] : memref<16384x128xf32, #tpu.memory_space<hbm>> -> memref<16384x128xf32, #tpu.memory_space<hbm>>
    tpu.enqueue_indirect_dma source(%dma_start3A_4 : memref<16384x128xf32, #tpu.memory_space<hbm>>) target(%arg9 : memref<512x128xf32, #tpu.memory_space<vmem>>) offsets(%arg7 : memref<512xi32, #tpu.memory_space<vmem>>) semaphore(%arg10 : memref<!tpu.dma_semaphore, #tpu.memory_space<semaphore_mem>>)
    %dma_wait3A = arith.constant 0 : i32
    %dma_wait3A_5 = arith.constant 0 : i32
    %dma_wait3A_6 = tpu.memref_slice %arg3[%dma_wait3A, %dma_wait3A_5] : memref<16384x128xf32, #tpu.memory_space<hbm>> -> memref<16384x128xf32, #tpu.memory_space<hbm>>
    tpu.wait_indirect_dma semaphore(%arg10 : memref<!tpu.dma_semaphore, #tpu.memory_space<semaphore_mem>>) src(%dma_wait3A_6 : memref<16384x128xf32, #tpu.memory_space<hbm>>) dst(%arg9 : memref<512x128xf32, #tpu.memory_space<vmem>>)
    "tpu.region"() ({
      %run_scoped3A = tpu.sem_alloc : memref<!tpu.dma_semaphore, #tpu.memory_space<semaphore_mem>>
      %dma_start3A_7 = arith.constant 0 : i32
      %dma_start3A_8 = arith.constant 0 : i32
      %dma_start3A_9 = tpu.memref_slice %arg2[%dma_start3A_7, %dma_start3A_8] : memref<100000x128xf32, #tpu.memory_space<hbm>> -> memref<100000x128xf32, #tpu.memory_space<hbm>>
      tpu.enqueue_indirect_dma source(%arg9 : memref<512x128xf32, #tpu.memory_space<vmem>>) target(%dma_start3A_9 : memref<100000x128xf32, #tpu.memory_space<hbm>>) offsets(%arg8 : memref<512xi32, #tpu.memory_space<vmem>>) semaphore(%run_scoped3A : memref<!tpu.dma_semaphore, #tpu.memory_space<semaphore_mem>>)
      %dma_wait3A_10 = arith.constant 0 : i32
      %dma_wait3A_11 = arith.constant 0 : i32
      %dma_wait3A_12 = tpu.memref_slice %arg2[%dma_wait3A_10, %dma_wait3A_11] : memref<100000x128xf32, #tpu.memory_space<hbm>> -> memref<100000x128xf32, #tpu.memory_space<hbm>>
      tpu.wait_indirect_dma semaphore(%run_scoped3A : memref<!tpu.dma_semaphore, #tpu.memory_space<semaphore_mem>>) src(%arg9 : memref<512x128xf32, #tpu.memory_space<vmem>>) dst(%dma_wait3A_12 : memref<100000x128xf32, #tpu.memory_space<hbm>>)
      tpu.yield
    }) : () -> ()
    return
  }
}

#map = affine_map<(d0, d1) -> (0, 0)>
#map1 = affine_map<(d0, d1) -> (0)>
module attributes {stable_mosaic.version = 14 : i64} {
  func.func @sc_gather_rows(%arg0: i32, %arg1: i32, %arg2: memref<100000x128xf32, #tpu.memory_space<hbm>>, %arg3: memref<16384xi32, #tpu.memory_space<hbm>>, %arg4: memref<16384x128xf32, #tpu.memory_space<hbm>>, %arg5: memref<100096xi32, #tpu.memory_space<hbm>>, %arg6: memref<16384xi32, #tpu.memory_space<vmem>>, %arg7: memref<512x128xf32, #tpu.memory_space<vmem>>, %arg8: memref<3128xi32, #tpu.memory_space<vmem>>, %arg9: memref<!tpu.dma_semaphore, #tpu.memory_space<semaphore_mem>>) attributes {dimension_semantics = [#tpu.dimension_semantics<core_parallel>, #tpu.dimension_semantics<subcore_parallel>], iteration_bounds = array<i64: 2, 16>, scalar_prefetch = 0 : i64, scratch_operands = 4 : i64, tpu.core_type = #tpu.core_type<sc_vector_subcore>, window_params = [{transform_indices = #map}, {transform_indices = #map1}, {transform_indices = #map}, {transform_indices = #map1}]} {
    %mul3A = arith.constant 2 : i32
    %mul3A_0 = arith.muli %arg1, %mul3A : i32
    %add3A = arith.addi %mul3A_0, %arg0 : i32
    %mul3A_1 = arith.constant 512 : i32
    %mul3A_2 = arith.muli %add3A, %mul3A_1 : i32
    "tpu.region"() ({
      %run_scoped3A = tpu.sem_alloc : memref<!tpu.dma_semaphore, #tpu.memory_space<semaphore_mem>>
      tpu.enqueue_dma source(%arg3 : memref<16384xi32, #tpu.memory_space<hbm>>) target(%arg6 : memref<16384xi32, #tpu.memory_space<vmem>>) target_semaphore(%run_scoped3A : memref<!tpu.dma_semaphore, #tpu.memory_space<semaphore_mem>>)
      tpu.wait_dma2 semaphore(%run_scoped3A : memref<!tpu.dma_semaphore, #tpu.memory_space<semaphore_mem>>) src(%arg3 : memref<16384xi32, #tpu.memory_space<hbm>>) dst(%arg6 : memref<16384xi32, #tpu.memory_space<vmem>>)
      tpu.yield
    }) : () -> ()
    %dma_start3A = tpu.memref_slice %arg6[%mul3A_2] : memref<16384xi32, #tpu.memory_space<vmem>> -> memref<512xi32, #tpu.memory_space<vmem>>
    %dma_start3A_3 = arith.constant 0 : i32
    %dma_start3A_4 = arith.constant 0 : i32
    %dma_start3A_5 = tpu.memref_slice %arg2[%dma_start3A_3, %dma_start3A_4] : memref<100000x128xf32, #tpu.memory_space<hbm>> -> memref<100000x128xf32, #tpu.memory_space<hbm>>
    tpu.enqueue_indirect_dma source(%dma_start3A_5 : memref<100000x128xf32, #tpu.memory_space<hbm>>) target(%arg7 : memref<512x128xf32, #tpu.memory_space<vmem>>) offsets(%dma_start3A : memref<512xi32, #tpu.memory_space<vmem>>) semaphore(%arg9 : memref<!tpu.dma_semaphore, #tpu.memory_space<semaphore_mem>>)
    %mul3A_6 = arith.constant 3128 : i32
    %mul3A_7 = arith.muli %add3A, %mul3A_6 : i32
    %iota3A = tpu.iota {dimensions = array<i32: 0>} : vector<16xi32>
    %add3A_8 = arith.constant 1 : i32
    %add3A_9 = vector.broadcast %add3A_8 : i32 to vector<16xi32>
    %add3A_10 = arith.addi %iota3A, %add3A_9 : vector<16xi32>
    %min3A = arith.constant 15 : i32
    %min3A_11 = vector.broadcast %min3A : i32 to vector<16xi32>
    %min3A_12 = arith.minsi %add3A_10, %min3A_11 : vector<16xi32>
    %eq3A = arith.constant 15 : i32
    %eq3A_13 = vector.broadcast %eq3A : i32 to vector<16xi32>
    %eq3A_14 = arith.cmpi eq, %iota3A, %eq3A_13 : vector<16xi32>
    %scan3A = arith.constant 0 : i32
    %scan3A_15 = arith.constant 256 : i32
    %scan3A_16 = arith.addi %scan3A, %scan3A_15 : i32
    %scan3A_17 = arith.constant 1 : i32
    scf.for %scan3A_22 = %scan3A to %scan3A_16 step %scan3A_17  : i32 {
      %mul3A_23 = arith.constant 4 : i32
      %mul3A_24 = arith.muli %scan3A_22, %mul3A_23 : i32
      %add3A_25 = arith.constant 0 : i32
      %add3A_26 = arith.addi %add3A_25, %mul3A_24 : i32
      %add3A_27 = arith.constant 0 : i32
      %add3A_28 = arith.addi %add3A_26, %add3A_27 : i32
      %mul3A_29 = arith.constant 16 : i32
      %mul3A_30 = arith.muli %add3A_28, %mul3A_29 : i32
      %get3A = arith.index_cast %mul3A_30 : i32 to index
      %get3A_31 = tpu.vector_load %arg6[%get3A] {strides = array<i32>} : memref<16384xi32, #tpu.memory_space<vmem>>, vector<16xi32>,
      %add3A_32 = arith.constant 0 : i32
      %add3A_33 = arith.addi %add3A_26, %add3A_32 : i32
      %mul3A_34 = arith.constant 16 : i32
      %mul3A_35 = arith.muli %add3A_33, %mul3A_34 : i32
      %add3A_36 = vector.broadcast %mul3A_35 : i32 to vector<16xi32>
      %add3A_37 = arith.addi %add3A_36, %iota3A : vector<16xi32>
      %shift_left3A = arith.constant 14 : i32
      %shift_left3A_38 = vector.broadcast %shift_left3A : i32 to vector<16xi32>
      %shift_left3A_39 = arith.shli %get3A_31, %shift_left3A_38 : vector<16xi32>
      %or3A = arith.ori %shift_left3A_39, %add3A_37 : vector<16xi32>
      %sort3A = arith.constant dense<true> : vector<16xi1>
      %sort3A_40, %sort3A_41, %sort3A_42 = tpu.sort %or3A, %or3A masked %sort3A : (vector<16xi32>, vector<16xi32>, vector<16xi1>) -> (vector<16xi1>, vector<16xi32>, vector<16xi32>)
      %shift_right_arithmetic3A = arith.constant 14 : i32
      %shift_right_arithmetic3A_43 = vector.broadcast %shift_right_arithmetic3A : i32 to vector<16xi32>
      %shift_right_arithmetic3A_44 = arith.shrsi %sort3A_41, %shift_right_arithmetic3A_43 : vector<16xi32>
      %and3A = arith.constant 16383 : i32
      %and3A_45 = vector.broadcast %and3A : i32 to vector<16xi32>
      %and3A_46 = arith.andi %sort3A_41, %and3A_45 : vector<16xi32>
      %broadcast_in_dim3A = vector.shape_cast %min3A_12 : vector<16xi32> to vector<16x1xi32>
      %gather3A = vector.shape_cast %broadcast_in_dim3A : vector<16x1xi32> to vector<16xi32>
      %gather3A_47 = tpu.dynamic_gather %shift_right_arithmetic3A_44[%gather3A] in [0] : vector<16xi32>, vector<16xi32> -> vector<16xi32>
      %ne3A = arith.cmpi ne, %shift_right_arithmetic3A_44, %gather3A_47 : vector<16xi32>
      %or3A_48 = arith.ori %ne3A, %eq3A_14 : vector<16xi1>
      %sub3A = vector.broadcast %mul3A_7 : i32 to vector<16xi32>
      %sub3A_49 = arith.subi %shift_right_arithmetic3A_44, %sub3A : vector<16xi32>
      %bitcast3A = vector.bitcast %sub3A_49 : vector<16xi32> to vector<16xi32>
      %lt3A = arith.constant 3128 : i32
      %lt3A_50 = vector.broadcast %lt3A : i32 to vector<16xi32>
      %lt3A_51 = arith.cmpi ult, %bitcast3A, %lt3A_50 : vector<16xi32>
      %and3A_52 = arith.andi %or3A_48, %lt3A_51 : vector<16xi1>
      tpu.vector_store_idx %arg8[%sub3A_49], %and3A_46 masked %and3A_52 : memref<3128xi32, #tpu.memory_space<vmem>>[vector<16xi32>], vector<16xi32>, vector<16xi1>
      %add3A_53 = arith.constant 1 : i32
      %add3A_54 = arith.addi %add3A_26, %add3A_53 : i32
      %mul3A_55 = arith.constant 16 : i32
      %mul3A_56 = arith.muli %add3A_54, %mul3A_55 : i32
      %get3A_57 = arith.index_cast %mul3A_56 : i32 to index
      %get3A_58 = tpu.vector_load %arg6[%get3A_57] {strides = array<i32>} : memref<16384xi32, #tpu.memory_space<vmem>>, vector<16xi32>,
      %add3A_59 = arith.constant 1 : i32
      %add3A_60 = arith.addi %add3A_26, %add3A_59 : i32
      %mul3A_61 = arith.constant 16 : i32
      %mul3A_62 = arith.muli %add3A_60, %mul3A_61 : i32
      %add3A_63 = vector.broadcast %mul3A_62 : i32 to vector<16xi32>
      %add3A_64 = arith.addi %add3A_63, %iota3A : vector<16xi32>
      %shift_left3A_65 = arith.constant 14 : i32
      %shift_left3A_66 = vector.broadcast %shift_left3A_65 : i32 to vector<16xi32>
      %shift_left3A_67 = arith.shli %get3A_58, %shift_left3A_66 : vector<16xi32>
      %or3A_68 = arith.ori %shift_left3A_67, %add3A_64 : vector<16xi32>
      %sort3A_69 = arith.constant dense<true> : vector<16xi1>
      %sort3A_70, %sort3A_71, %sort3A_72 = tpu.sort %or3A_68, %or3A_68 masked %sort3A_69 : (vector<16xi32>, vector<16xi32>, vector<16xi1>) -> (vector<16xi1>, vector<16xi32>, vector<16xi32>)
      %shift_right_arithmetic3A_73 = arith.constant 14 : i32
      %shift_right_arithmetic3A_74 = vector.broadcast %shift_right_arithmetic3A_73 : i32 to vector<16xi32>
      %shift_right_arithmetic3A_75 = arith.shrsi %sort3A_71, %shift_right_arithmetic3A_74 : vector<16xi32>
      %and3A_76 = arith.constant 16383 : i32
      %and3A_77 = vector.broadcast %and3A_76 : i32 to vector<16xi32>
      %and3A_78 = arith.andi %sort3A_71, %and3A_77 : vector<16xi32>
      %broadcast_in_dim3A_79 = vector.shape_cast %min3A_12 : vector<16xi32> to vector<16x1xi32>
      %gather3A_80 = vector.shape_cast %broadcast_in_dim3A_79 : vector<16x1xi32> to vector<16xi32>
      %gather3A_81 = tpu.dynamic_gather %shift_right_arithmetic3A_75[%gather3A_80] in [0] : vector<16xi32>, vector<16xi32> -> vector<16xi32>
      %ne3A_82 = arith.cmpi ne, %shift_right_arithmetic3A_75, %gather3A_81 : vector<16xi32>
      %or3A_83 = arith.ori %ne3A_82, %eq3A_14 : vector<16xi1>
      %sub3A_84 = vector.broadcast %mul3A_7 : i32 to vector<16xi32>
      %sub3A_85 = arith.subi %shift_right_arithmetic3A_75, %sub3A_84 : vector<16xi32>
      %bitcast3A_86 = vector.bitcast %sub3A_85 : vector<16xi32> to vector<16xi32>
      %lt3A_87 = arith.constant 3128 : i32
      %lt3A_88 = vector.broadcast %lt3A_87 : i32 to vector<16xi32>
      %lt3A_89 = arith.cmpi ult, %bitcast3A_86, %lt3A_88 : vector<16xi32>
      %and3A_90 = arith.andi %or3A_83, %lt3A_89 : vector<16xi1>
      tpu.vector_store_idx %arg8[%sub3A_85], %and3A_78 masked %and3A_90 : memref<3128xi32, #tpu.memory_space<vmem>>[vector<16xi32>], vector<16xi32>, vector<16xi1>
      %add3A_91 = arith.constant 2 : i32
      %add3A_92 = arith.addi %add3A_26, %add3A_91 : i32
      %mul3A_93 = arith.constant 16 : i32
      %mul3A_94 = arith.muli %add3A_92, %mul3A_93 : i32
      %get3A_95 = arith.index_cast %mul3A_94 : i32 to index
      %get3A_96 = tpu.vector_load %arg6[%get3A_95] {strides = array<i32>} : memref<16384xi32, #tpu.memory_space<vmem>>, vector<16xi32>,
      %add3A_97 = arith.constant 2 : i32
      %add3A_98 = arith.addi %add3A_26, %add3A_97 : i32
      %mul3A_99 = arith.constant 16 : i32
      %mul3A_100 = arith.muli %add3A_98, %mul3A_99 : i32
      %add3A_101 = vector.broadcast %mul3A_100 : i32 to vector<16xi32>
      %add3A_102 = arith.addi %add3A_101, %iota3A : vector<16xi32>
      %shift_left3A_103 = arith.constant 14 : i32
      %shift_left3A_104 = vector.broadcast %shift_left3A_103 : i32 to vector<16xi32>
      %shift_left3A_105 = arith.shli %get3A_96, %shift_left3A_104 : vector<16xi32>
      %or3A_106 = arith.ori %shift_left3A_105, %add3A_102 : vector<16xi32>
      %sort3A_107 = arith.constant dense<true> : vector<16xi1>
      %sort3A_108, %sort3A_109, %sort3A_110 = tpu.sort %or3A_106, %or3A_106 masked %sort3A_107 : (vector<16xi32>, vector<16xi32>, vector<16xi1>) -> (vector<16xi1>, vector<16xi32>, vector<16xi32>)
      %shift_right_arithmetic3A_111 = arith.constant 14 : i32
      %shift_right_arithmetic3A_112 = vector.broadcast %shift_right_arithmetic3A_111 : i32 to vector<16xi32>
      %shift_right_arithmetic3A_113 = arith.shrsi %sort3A_109, %shift_right_arithmetic3A_112 : vector<16xi32>
      %and3A_114 = arith.constant 16383 : i32
      %and3A_115 = vector.broadcast %and3A_114 : i32 to vector<16xi32>
      %and3A_116 = arith.andi %sort3A_109, %and3A_115 : vector<16xi32>
      %broadcast_in_dim3A_117 = vector.shape_cast %min3A_12 : vector<16xi32> to vector<16x1xi32>
      %gather3A_118 = vector.shape_cast %broadcast_in_dim3A_117 : vector<16x1xi32> to vector<16xi32>
      %gather3A_119 = tpu.dynamic_gather %shift_right_arithmetic3A_113[%gather3A_118] in [0] : vector<16xi32>, vector<16xi32> -> vector<16xi32>
      %ne3A_120 = arith.cmpi ne, %shift_right_arithmetic3A_113, %gather3A_119 : vector<16xi32>
      %or3A_121 = arith.ori %ne3A_120, %eq3A_14 : vector<16xi1>
      %sub3A_122 = vector.broadcast %mul3A_7 : i32 to vector<16xi32>
      %sub3A_123 = arith.subi %shift_right_arithmetic3A_113, %sub3A_122 : vector<16xi32>
      %bitcast3A_124 = vector.bitcast %sub3A_123 : vector<16xi32> to vector<16xi32>
      %lt3A_125 = arith.constant 3128 : i32
      %lt3A_126 = vector.broadcast %lt3A_125 : i32 to vector<16xi32>
      %lt3A_127 = arith.cmpi ult, %bitcast3A_124, %lt3A_126 : vector<16xi32>
      %and3A_128 = arith.andi %or3A_121, %lt3A_127 : vector<16xi1>
      tpu.vector_store_idx %arg8[%sub3A_123], %and3A_116 masked %and3A_128 : memref<3128xi32, #tpu.memory_space<vmem>>[vector<16xi32>], vector<16xi32>, vector<16xi1>
      %add3A_129 = arith.constant 3 : i32
      %add3A_130 = arith.addi %add3A_26, %add3A_129 : i32
      %mul3A_131 = arith.constant 16 : i32
      %mul3A_132 = arith.muli %add3A_130, %mul3A_131 : i32
      %get3A_133 = arith.index_cast %mul3A_132 : i32 to index
      %get3A_134 = tpu.vector_load %arg6[%get3A_133] {strides = array<i32>} : memref<16384xi32, #tpu.memory_space<vmem>>, vector<16xi32>,
      %add3A_135 = arith.constant 3 : i32
      %add3A_136 = arith.addi %add3A_26, %add3A_135 : i32
      %mul3A_137 = arith.constant 16 : i32
      %mul3A_138 = arith.muli %add3A_136, %mul3A_137 : i32
      %add3A_139 = vector.broadcast %mul3A_138 : i32 to vector<16xi32>
      %add3A_140 = arith.addi %add3A_139, %iota3A : vector<16xi32>
      %shift_left3A_141 = arith.constant 14 : i32
      %shift_left3A_142 = vector.broadcast %shift_left3A_141 : i32 to vector<16xi32>
      %shift_left3A_143 = arith.shli %get3A_134, %shift_left3A_142 : vector<16xi32>
      %or3A_144 = arith.ori %shift_left3A_143, %add3A_140 : vector<16xi32>
      %sort3A_145 = arith.constant dense<true> : vector<16xi1>
      %sort3A_146, %sort3A_147, %sort3A_148 = tpu.sort %or3A_144, %or3A_144 masked %sort3A_145 : (vector<16xi32>, vector<16xi32>, vector<16xi1>) -> (vector<16xi1>, vector<16xi32>, vector<16xi32>)
      %shift_right_arithmetic3A_149 = arith.constant 14 : i32
      %shift_right_arithmetic3A_150 = vector.broadcast %shift_right_arithmetic3A_149 : i32 to vector<16xi32>
      %shift_right_arithmetic3A_151 = arith.shrsi %sort3A_147, %shift_right_arithmetic3A_150 : vector<16xi32>
      %and3A_152 = arith.constant 16383 : i32
      %and3A_153 = vector.broadcast %and3A_152 : i32 to vector<16xi32>
      %and3A_154 = arith.andi %sort3A_147, %and3A_153 : vector<16xi32>
      %broadcast_in_dim3A_155 = vector.shape_cast %min3A_12 : vector<16xi32> to vector<16x1xi32>
      %gather3A_156 = vector.shape_cast %broadcast_in_dim3A_155 : vector<16x1xi32> to vector<16xi32>
      %gather3A_157 = tpu.dynamic_gather %shift_right_arithmetic3A_151[%gather3A_156] in [0] : vector<16xi32>, vector<16xi32> -> vector<16xi32>
      %ne3A_158 = arith.cmpi ne, %shift_right_arithmetic3A_151, %gather3A_157 : vector<16xi32>
      %or3A_159 = arith.ori %ne3A_158, %eq3A_14 : vector<16xi1>
      %sub3A_160 = vector.broadcast %mul3A_7 : i32 to vector<16xi32>
      %sub3A_161 = arith.subi %shift_right_arithmetic3A_151, %sub3A_160 : vector<16xi32>
      %bitcast3A_162 = vector.bitcast %sub3A_161 : vector<16xi32> to vector<16xi32>
      %lt3A_163 = arith.constant 3128 : i32
      %lt3A_164 = vector.broadcast %lt3A_163 : i32 to vector<16xi32>
      %lt3A_165 = arith.cmpi ult, %bitcast3A_162, %lt3A_164 : vector<16xi32>
      %and3A_166 = arith.andi %or3A_159, %lt3A_165 : vector<16xi1>
      tpu.vector_store_idx %arg8[%sub3A_161], %and3A_154 masked %and3A_166 : memref<3128xi32, #tpu.memory_space<vmem>>[vector<16xi32>], vector<16xi32>, vector<16xi1>
    }
    %scan3A_18 = arith.constant 256 : i32
    "tpu.region"() ({
      %run_scoped3A = tpu.sem_alloc : memref<!tpu.dma_semaphore, #tpu.memory_space<semaphore_mem>>
      %dma_start3A_22 = tpu.memref_slice %arg5[%mul3A_7] : memref<100096xi32, #tpu.memory_space<hbm>> -> memref<3128xi32, #tpu.memory_space<hbm>>
      %dma_start3A_23 = tpu.memref_slice %arg5[%mul3A_7] : memref<100096xi32, #tpu.memory_space<hbm>> -> memref<3128xi32, #tpu.memory_space<hbm>>
      tpu.enqueue_dma source(%arg8 : memref<3128xi32, #tpu.memory_space<vmem>>) target(%dma_start3A_23 : memref<3128xi32, #tpu.memory_space<hbm>>) target_semaphore(%run_scoped3A : memref<!tpu.dma_semaphore, #tpu.memory_space<semaphore_mem>>)
      %dma_wait3A_24 = tpu.memref_slice %arg5[%mul3A_7] : memref<100096xi32, #tpu.memory_space<hbm>> -> memref<3128xi32, #tpu.memory_space<hbm>>
      %dma_wait3A_25 = tpu.memref_slice %arg5[%mul3A_7] : memref<100096xi32, #tpu.memory_space<hbm>> -> memref<3128xi32, #tpu.memory_space<hbm>>
      tpu.wait_dma2 semaphore(%run_scoped3A : memref<!tpu.dma_semaphore, #tpu.memory_space<semaphore_mem>>) src(%arg8 : memref<3128xi32, #tpu.memory_space<vmem>>) dst(%dma_wait3A_25 : memref<3128xi32, #tpu.memory_space<hbm>>)
      tpu.yield
    }) : () -> ()
    %dma_wait3A = tpu.memref_slice %arg6[%mul3A_2] : memref<16384xi32, #tpu.memory_space<vmem>> -> memref<512xi32, #tpu.memory_space<vmem>>
    %dma_wait3A_19 = arith.constant 0 : i32
    %dma_wait3A_20 = arith.constant 0 : i32
    %dma_wait3A_21 = tpu.memref_slice %arg2[%dma_wait3A_19, %dma_wait3A_20] : memref<100000x128xf32, #tpu.memory_space<hbm>> -> memref<100000x128xf32, #tpu.memory_space<hbm>>
    tpu.wait_indirect_dma semaphore(%arg9 : memref<!tpu.dma_semaphore, #tpu.memory_space<semaphore_mem>>) src(%dma_wait3A_21 : memref<100000x128xf32, #tpu.memory_space<hbm>>) dst(%arg7 : memref<512x128xf32, #tpu.memory_space<vmem>>)
    "tpu.region"() ({
      %run_scoped3A = tpu.sem_alloc : memref<!tpu.dma_semaphore, #tpu.memory_space<semaphore_mem>>
      %dma_start3A_22 = arith.constant 0 : i32
      %dma_start3A_23 = tpu.memref_slice %arg4[%mul3A_2, %dma_start3A_22] : memref<16384x128xf32, #tpu.memory_space<hbm>> -> memref<512x128xf32, #tpu.memory_space<hbm>>
      %dma_start3A_24 = arith.constant 0 : i32
      %dma_start3A_25 = tpu.memref_slice %arg4[%mul3A_2, %dma_start3A_24] : memref<16384x128xf32, #tpu.memory_space<hbm>> -> memref<512x128xf32, #tpu.memory_space<hbm>>
      tpu.enqueue_dma source(%arg7 : memref<512x128xf32, #tpu.memory_space<vmem>>) target(%dma_start3A_25 : memref<512x128xf32, #tpu.memory_space<hbm>>) target_semaphore(%run_scoped3A : memref<!tpu.dma_semaphore, #tpu.memory_space<semaphore_mem>>)
      %dma_wait3A_26 = arith.constant 0 : i32
      %dma_wait3A_27 = tpu.memref_slice %arg4[%mul3A_2, %dma_wait3A_26] : memref<16384x128xf32, #tpu.memory_space<hbm>> -> memref<512x128xf32, #tpu.memory_space<hbm>>
      %dma_wait3A_28 = arith.constant 0 : i32
      %dma_wait3A_29 = tpu.memref_slice %arg4[%mul3A_2, %dma_wait3A_28] : memref<16384x128xf32, #tpu.memory_space<hbm>> -> memref<512x128xf32, #tpu.memory_space<hbm>>
      tpu.wait_dma2 semaphore(%run_scoped3A : memref<!tpu.dma_semaphore, #tpu.memory_space<semaphore_mem>>) src(%arg7 : memref<512x128xf32, #tpu.memory_space<vmem>>) dst(%dma_wait3A_29 : memref<512x128xf32, #tpu.memory_space<hbm>>)
      tpu.yield
    }) : () -> ()
    return
  }
}

module attributes {stable_mosaic.version = 14 : i64} {
  func.func @tc_gru_cell(%arg0: i32, %arg1: memref<2048x128xf32, #tpu.memory_space<vmem>>, %arg2: memref<2048x128xf32, #tpu.memory_space<vmem>>, %arg3: memref<384x128xf32, #tpu.memory_space<vmem>>, %arg4: memref<384x128xf32, #tpu.memory_space<vmem>>, %arg5: memref<1x384xf32, #tpu.memory_space<vmem>>, %arg6: memref<1x384xf32, #tpu.memory_space<vmem>>, %arg7: memref<2048x128xf32, #tpu.memory_space<vmem>>) attributes {dimension_semantics = [#tpu.dimension_semantics<arbitrary>], iteration_bounds = array<i64: 8>, scalar_prefetch = 0 : i64, scratch_operands = 0 : i64, tpu.core_type = #tpu.core_type<tc>, window_params = [{transform_indices = @transform_0, window_bounds = array<i64: 2048, 128>}, {transform_indices = @transform_1, window_bounds = array<i64: 2048, 128>}, {pipeline_mode = #tpu.pipeline_mode<synchronous>, transform_indices = @transform_2, window_bounds = array<i64: 384, 128>}, {pipeline_mode = #tpu.pipeline_mode<synchronous>, transform_indices = @transform_3, window_bounds = array<i64: 384, 128>}, {pipeline_mode = #tpu.pipeline_mode<synchronous>, transform_indices = @transform_4, window_bounds = array<i64: 1, 384>}, {pipeline_mode = #tpu.pipeline_mode<synchronous>, transform_indices = @transform_5, window_bounds = array<i64: 1, 384>}, {transform_indices = @transform_6, window_bounds = array<i64: 2048, 128>}]} {
    %get3A = arith.constant 0 : index
    %get3A_0 = arith.constant 0 : index
    %get3A_1 = vector.load %arg1[%get3A, %get3A_0] : memref<2048x128xf32, #tpu.memory_space<vmem>>, vector<2048x128xf32>
    %get3A_2 = arith.constant 0 : index
    %get3A_3 = arith.constant 0 : index
    %get3A_4 = vector.load %arg2[%get3A_2, %get3A_3] : memref<2048x128xf32, #tpu.memory_space<vmem>>, vector<2048x128xf32>
    %get3A_5 = arith.constant 0 : index
    %get3A_6 = arith.constant 0 : index
    %get3A_7 = vector.load %arg3[%get3A_5, %get3A_6] : memref<384x128xf32, #tpu.memory_space<vmem>>, vector<384x128xf32>
    %dot_general3A = arith.constant dense<0.000000e+00> : vector<2048x384xf32>
    %dot_general3A_8 = tpu.matmul %get3A_1, %get3A_7, %dot_general3A {dimension_numbers = #tpu.dot_dimension_numbers<[1], [1], [0], [0], [0, 0, 1, 0], [], []>, transpose_lhs_hint = false} : vector<2048x128xf32>, vector<384x128xf32>, vector<2048x384xf32> -> vector<2048x384xf32>
    %get3A_9 = arith.constant 0 : index
    %get3A_10 = arith.constant 0 : index
    %get3A_11 = vector.load %arg5[%get3A_9, %get3A_10] : memref<1x384xf32, #tpu.memory_space<vmem>>, vector<1x384xf32>
    %add3A = vector.broadcast %get3A_11 : vector<1x384xf32> to vector<2048x384xf32>
    %add3A_12 = arith.addf %dot_general3A_8, %add3A : vector<2048x384xf32>
    %get3A_13 = arith.constant 0 : index
    %get3A_14 = arith.constant 0 : index
    %get3A_15 = vector.load %arg4[%get3A_13, %get3A_14] : memref<384x128xf32, #tpu.memory_space<vmem>>, vector<384x128xf32>
    %dot_general3A_16 = arith.constant dense<0.000000e+00> : vector<2048x384xf32>
    %dot_general3A_17 = tpu.matmul %get3A_4, %get3A_15, %dot_general3A_16 {dimension_numbers = #tpu.dot_dimension_numbers<[1], [1], [0], [0], [0, 0, 1, 0], [], []>, transpose_lhs_hint = false} : vector<2048x128xf32>, vector<384x128xf32>, vector<2048x384xf32> -> vector<2048x384xf32>
    %get3A_18 = arith.constant 0 : index
    %get3A_19 = arith.constant 0 : index
    %get3A_20 = vector.load %arg6[%get3A_18, %get3A_19] : memref<1x384xf32, #tpu.memory_space<vmem>>, vector<1x384xf32>
    %add3A_21 = vector.broadcast %get3A_20 : vector<1x384xf32> to vector<2048x384xf32>
    %add3A_22 = arith.addf %dot_general3A_17, %add3A_21 : vector<2048x384xf32>
    %slice3A = vector.extract_strided_slice %add3A_12 {offsets = [0, 0], sizes = [2048, 128], strides = [1, 1]} : vector<2048x384xf32> to vector<2048x128xf32>
    %slice3A_23 = vector.extract_strided_slice %add3A_12 {offsets = [0, 128], sizes = [2048, 128], strides = [1, 1]} : vector<2048x384xf32> to vector<2048x128xf32>
    %slice3A_24 = vector.extract_strided_slice %add3A_12 {offsets = [0, 256], sizes = [2048, 128], strides = [1, 1]} : vector<2048x384xf32> to vector<2048x128xf32>
    %slice3A_25 = vector.extract_strided_slice %add3A_22 {offsets = [0, 0], sizes = [2048, 128], strides = [1, 1]} : vector<2048x384xf32> to vector<2048x128xf32>
    %slice3A_26 = vector.extract_strided_slice %add3A_22 {offsets = [0, 128], sizes = [2048, 128], strides = [1, 1]} : vector<2048x384xf32> to vector<2048x128xf32>
    %slice3A_27 = vector.extract_strided_slice %add3A_22 {offsets = [0, 256], sizes = [2048, 128], strides = [1, 1]} : vector<2048x384xf32> to vector<2048x128xf32>
    %add3A_28 = arith.addf %slice3A, %slice3A_25 : vector<2048x128xf32>
    %logistic3A = arith.negf %add3A_28 : vector<2048x128xf32>
    %logistic3A_29 = math.exp %logistic3A : vector<2048x128xf32>
    %logistic3A_30 = arith.constant 1.000000e+00 : f32
    %logistic3A_31 = vector.broadcast %logistic3A_30 : f32 to vector<2048x128xf32>
    %logistic3A_32 = arith.addf %logistic3A_31, %logistic3A_29 : vector<2048x128xf32>
    %logistic3A_33 = arith.divf %logistic3A_31, %logistic3A_32 : vector<2048x128xf32>
    %add3A_34 = arith.addf %slice3A_23, %slice3A_26 : vector<2048x128xf32>
    %logistic3A_35 = arith.negf %add3A_34 : vector<2048x128xf32>
    %logistic3A_36 = math.exp %logistic3A_35 : vector<2048x128xf32>
    %logistic3A_37 = arith.constant 1.000000e+00 : f32
    %logistic3A_38 = vector.broadcast %logistic3A_37 : f32 to vector<2048x128xf32>
    %logistic3A_39 = arith.addf %logistic3A_38, %logistic3A_36 : vector<2048x128xf32>
    %logistic3A_40 = arith.divf %logistic3A_38, %logistic3A_39 : vector<2048x128xf32>
    %mul3A = arith.mulf %logistic3A_33, %slice3A_27 : vector<2048x128xf32>
    %add3A_41 = arith.addf %slice3A_24, %mul3A : vector<2048x128xf32>
    %tanh3A = math.tanh %add3A_41 : vector<2048x128xf32>
    %sub3A = arith.constant 1.000000e+00 : f32
    %sub3A_42 = vector.broadcast %sub3A : f32 to vector<2048x128xf32>
    %sub3A_43 = arith.subf %sub3A_42, %logistic3A_40 : vector<2048x128xf32>
    %mul3A_44 = arith.mulf %sub3A_43, %tanh3A : vector<2048x128xf32>
    %mul3A_45 = arith.mulf %logistic3A_40, %get3A_4 : vector<2048x128xf32>
    %add3A_46 = arith.addf %mul3A_44, %mul3A_45 : vector<2048x128xf32>
    %swap3A = arith.constant 0 : index
    %swap3A_47 = arith.constant 0 : index
    %swap3A_48 = vector.load %arg7[%swap3A, %swap3A_47] : memref<2048x128xf32, #tpu.memory_space<vmem>>, vector<2048x128xf32>
    tpu.vector_store %arg7[%swap3A, %swap3A_47], %add3A_46 {strides = array<i32>} : memref<2048x128xf32, #tpu.memory_space<vmem>>, vector<2048x128xf32>,
    return
  }
  func.func @transform_0(%arg0: i32) -> (i32, i32) {
    %c0_i32 = arith.constant 0 : i32
    %c0_i32_0 = arith.constant 0 : i32
    return %arg0, %c0_i32 : i32, i32
  }
  func.func @transform_1(%arg0: i32) -> (i32, i32) {
    %c0_i32 = arith.constant 0 : i32
    %c0_i32_0 = arith.constant 0 : i32
    return %arg0, %c0_i32 : i32, i32
  }
  func.func @transform_2(%arg0: i32) -> (i32, i32) {
    %c0_i32 = arith.constant 0 : i32
    %c0_i32_0 = arith.constant 0 : i32
    %c0_i32_1 = arith.constant 0 : i32
    return %c0_i32, %c0_i32_0 : i32, i32
  }
  func.func @transform_3(%arg0: i32) -> (i32, i32) {
    %c0_i32 = arith.constant 0 : i32
    %c0_i32_0 = arith.constant 0 : i32
    %c0_i32_1 = arith.constant 0 : i32
    return %c0_i32, %c0_i32_0 : i32, i32
  }
  func.func @transform_4(%arg0: i32) -> (i32, i32) {
    %c0_i32 = arith.constant 0 : i32
    %c0_i32_0 = arith.constant 0 : i32
    %c0_i32_1 = arith.constant 0 : i32
    return %c0_i32, %c0_i32_0 : i32, i32
  }
  func.func @transform_5(%arg0: i32) -> (i32, i32) {
    %c0_i32 = arith.constant 0 : i32
    %c0_i32_0 = arith.constant 0 : i32
    %c0_i32_1 = arith.constant 0 : i32
    return %c0_i32, %c0_i32_0 : i32, i32
  }
  func.func @transform_6(%arg0: i32) -> (i32, i32) {
    %c0_i32 = arith.constant 0 : i32
    %c0_i32_0 = arith.constant 0 : i32
    return %arg0, %c0_i32 : i32, i32
  }
}

module attributes {stable_mosaic.version = 14 : i64} {
  func.func @tc_copy_table(%arg0: memref<100000x128xf32, #tpu.memory_space<hbm>>, %arg1: memref<100000x128xf32, #tpu.memory_space<hbm>>, %arg2: memref<10000x128xf32, #tpu.memory_space<vmem>>, %arg3: memref<10000x128xf32, #tpu.memory_space<vmem>>, %arg4: memref<4x!tpu.dma_semaphore, #tpu.memory_space<semaphore_mem>>) attributes {dimension_semantics = [], scalar_prefetch = 0 : i64, scratch_operands = 3 : i64, tpu.core_type = #tpu.core_type<tc>} {
    %dma_start3A = arith.constant 0 : i32
    %dma_start3A_0 = tpu.memref_slice %arg4[%dma_start3A] : memref<4x!tpu.dma_semaphore, #tpu.memory_space<semaphore_mem>> -> memref<1x!tpu.dma_semaphore, #tpu.memory_space<semaphore_mem>>
    %dma_start3A_1 = tpu.memref_squeeze %dma_start3A_0 : memref<1x!tpu.dma_semaphore, #tpu.memory_space<semaphore_mem>> -> memref<!tpu.dma_semaphore, #tpu.memory_space<semaphore_mem>>
    %dma_start3A_2 = arith.constant 0 : i32
    %dma_start3A_3 = arith.constant 0 : i32
    %dma_start3A_4 = tpu.memref_slice %arg2[%dma_start3A_2, %dma_start3A_3] : memref<10000x128xf32, #tpu.memory_space<vmem>> -> memref<10000x128xf32, #tpu.memory_space<vmem>>
    %dma_start3A_5 = arith.constant 0 : i32
    %dma_start3A_6 = arith.constant 0 : i32
    %dma_start3A_7 = tpu.memref_slice %arg0[%dma_start3A_5, %dma_start3A_6] : memref<100000x128xf32, #tpu.memory_space<hbm>> -> memref<10000x128xf32, #tpu.memory_space<hbm>>
    tpu.enqueue_dma source(%dma_start3A_7 : memref<10000x128xf32, #tpu.memory_space<hbm>>) target(%dma_start3A_4 : memref<10000x128xf32, #tpu.memory_space<vmem>>) target_semaphore(%dma_start3A_1 : memref<!tpu.dma_semaphore, #tpu.memory_space<semaphore_mem>>)
    %dma_wait3A = arith.constant 0 : i32
    %dma_wait3A_8 = tpu.memref_slice %arg4[%dma_wait3A] : memref<4x!tpu.dma_semaphore, #tpu.memory_space<semaphore_mem>> -> memref<1x!tpu.dma_semaphore, #tpu.memory_space<semaphore_mem>>
    %dma_wait3A_9 = tpu.memref_squeeze %dma_wait3A_8 : memref<1x!tpu.dma_semaphore, #tpu.memory_space<semaphore_mem>> -> memref<!tpu.dma_semaphore, #tpu.memory_space<semaphore_mem>>
    %dma_wait3A_10 = arith.constant 0 : i32
    %dma_wait3A_11 = arith.constant 0 : i32
    %dma_wait3A_12 = tpu.memref_slice %arg2[%dma_wait3A_10, %dma_wait3A_11] : memref<10000x128xf32, #tpu.memory_space<vmem>> -> memref<10000x128xf32, #tpu.memory_space<vmem>>
    %dma_wait3A_13 = arith.constant 0 : i32
    %dma_wait3A_14 = arith.constant 0 : i32
    %dma_wait3A_15 = tpu.memref_slice %arg0[%dma_wait3A_13, %dma_wait3A_14] : memref<100000x128xf32, #tpu.memory_space<hbm>> -> memref<10000x128xf32, #tpu.memory_space<hbm>>
    tpu.wait_dma2 semaphore(%dma_wait3A_9 : memref<!tpu.dma_semaphore, #tpu.memory_space<semaphore_mem>>) src(%dma_wait3A_15 : memref<10000x128xf32, #tpu.memory_space<hbm>>) dst(%dma_wait3A_12 : memref<10000x128xf32, #tpu.memory_space<vmem>>)
    %dma_start3A_16 = arith.constant 2 : i32
    %dma_start3A_17 = tpu.memref_slice %arg4[%dma_start3A_16] : memref<4x!tpu.dma_semaphore, #tpu.memory_space<semaphore_mem>> -> memref<1x!tpu.dma_semaphore, #tpu.memory_space<semaphore_mem>>
    %dma_start3A_18 = tpu.memref_squeeze %dma_start3A_17 : memref<1x!tpu.dma_semaphore, #tpu.memory_space<semaphore_mem>> -> memref<!tpu.dma_semaphore, #tpu.memory_space<semaphore_mem>>
    %dma_start3A_19 = arith.constant 0 : i32
    %dma_start3A_20 = arith.constant 0 : i32
    %dma_start3A_21 = tpu.memref_slice %arg1[%dma_start3A_19, %dma_start3A_20] : memref<100000x128xf32, #tpu.memory_space<hbm>> -> memref<10000x128xf32, #tpu.memory_space<hbm>>
    %dma_start3A_22 = arith.constant 0 : i32
    %dma_start3A_23 = arith.constant 0 : i32
    %dma_start3A_24 = tpu.memref_slice %arg2[%dma_start3A_22, %dma_start3A_23] : memref<10000x128xf32, #tpu.memory_space<vmem>> -> memref<10000x128xf32, #tpu.memory_space<vmem>>
    tpu.enqueue_dma source(%dma_start3A_24 : memref<10000x128xf32, #tpu.memory_space<vmem>>) target(%dma_start3A_21 : memref<10000x128xf32, #tpu.memory_space<hbm>>) target_semaphore(%dma_start3A_18 : memref<!tpu.dma_semaphore, #tpu.memory_space<semaphore_mem>>)
    %dma_start3A_25 = arith.constant 1 : i32
    %dma_start3A_26 = tpu.memref_slice %arg4[%dma_start3A_25] : memref<4x!tpu.dma_semaphore, #tpu.memory_space<semaphore_mem>> -> memref<1x!tpu.dma_semaphore, #tpu.memory_space<semaphore_mem>>
    %dma_start3A_27 = tpu.memref_squeeze %dma_start3A_26 : memref<1x!tpu.dma_semaphore, #tpu.memory_space<semaphore_mem>> -> memref<!tpu.dma_semaphore, #tpu.memory_space<semaphore_mem>>
    %dma_start3A_28 = arith.constant 0 : i32
    %dma_start3A_29 = arith.constant 0 : i32
    %dma_start3A_30 = tpu.memref_slice %arg3[%dma_start3A_28, %dma_start3A_29] : memref<10000x128xf32, #tpu.memory_space<vmem>> -> memref<10000x128xf32, #tpu.memory_space<vmem>>
    %dma_start3A_31 = arith.constant 10000 : i32
    %dma_start3A_32 = arith.constant 0 : i32
    %dma_start3A_33 = tpu.memref_slice %arg0[%dma_start3A_31, %dma_start3A_32] : memref<100000x128xf32, #tpu.memory_space<hbm>> -> memref<10000x128xf32, #tpu.memory_space<hbm>>
    tpu.enqueue_dma source(%dma_start3A_33 : memref<10000x128xf32, #tpu.memory_space<hbm>>) target(%dma_start3A_30 : memref<10000x128xf32, #tpu.memory_space<vmem>>) target_semaphore(%dma_start3A_27 : memref<!tpu.dma_semaphore, #tpu.memory_space<semaphore_mem>>)
    %dma_wait3A_34 = arith.constant 1 : i32
    %dma_wait3A_35 = tpu.memref_slice %arg4[%dma_wait3A_34] : memref<4x!tpu.dma_semaphore, #tpu.memory_space<semaphore_mem>> -> memref<1x!tpu.dma_semaphore, #tpu.memory_space<semaphore_mem>>
    %dma_wait3A_36 = tpu.memref_squeeze %dma_wait3A_35 : memref<1x!tpu.dma_semaphore, #tpu.memory_space<semaphore_mem>> -> memref<!tpu.dma_semaphore, #tpu.memory_space<semaphore_mem>>
    %dma_wait3A_37 = arith.constant 0 : i32
    %dma_wait3A_38 = arith.constant 0 : i32
    %dma_wait3A_39 = tpu.memref_slice %arg3[%dma_wait3A_37, %dma_wait3A_38] : memref<10000x128xf32, #tpu.memory_space<vmem>> -> memref<10000x128xf32, #tpu.memory_space<vmem>>
    %dma_wait3A_40 = arith.constant 10000 : i32
    %dma_wait3A_41 = arith.constant 0 : i32
    %dma_wait3A_42 = tpu.memref_slice %arg0[%dma_wait3A_40, %dma_wait3A_41] : memref<100000x128xf32, #tpu.memory_space<hbm>> -> memref<10000x128xf32, #tpu.memory_space<hbm>>
    tpu.wait_dma2 semaphore(%dma_wait3A_36 : memref<!tpu.dma_semaphore, #tpu.memory_space<semaphore_mem>>) src(%dma_wait3A_42 : memref<10000x128xf32, #tpu.memory_space<hbm>>) dst(%dma_wait3A_39 : memref<10000x128xf32, #tpu.memory_space<vmem>>)
    %dma_start3A_43 = arith.constant 3 : i32
    %dma_start3A_44 = tpu.memref_slice %arg4[%dma_start3A_43] : memref<4x!tpu.dma_semaphore, #tpu.memory_space<semaphore_mem>> -> memref<1x!tpu.dma_semaphore, #tpu.memory_space<semaphore_mem>>
    %dma_start3A_45 = tpu.memref_squeeze %dma_start3A_44 : memref<1x!tpu.dma_semaphore, #tpu.memory_space<semaphore_mem>> -> memref<!tpu.dma_semaphore, #tpu.memory_space<semaphore_mem>>
    %dma_start3A_46 = arith.constant 10000 : i32
    %dma_start3A_47 = arith.constant 0 : i32
    %dma_start3A_48 = tpu.memref_slice %arg1[%dma_start3A_46, %dma_start3A_47] : memref<100000x128xf32, #tpu.memory_space<hbm>> -> memref<10000x128xf32, #tpu.memory_space<hbm>>
    %dma_start3A_49 = arith.constant 0 : i32
    %dma_start3A_50 = arith.constant 0 : i32
    %dma_start3A_51 = tpu.memref_slice %arg3[%dma_start3A_49, %dma_start3A_50] : memref<10000x128xf32, #tpu.memory_space<vmem>> -> memref<10000x128xf32, #tpu.memory_space<vmem>>
    tpu.enqueue_dma source(%dma_start3A_51 : memref<10000x128xf32, #tpu.memory_space<vmem>>) target(%dma_start3A_48 : memref<10000x128xf32, #tpu.memory_space<hbm>>) target_semaphore(%dma_start3A_45 : memref<!tpu.dma_semaphore, #tpu.memory_space<semaphore_mem>>)
    %dma_wait3A_52 = arith.constant 2 : i32
    %dma_wait3A_53 = tpu.memref_slice %arg4[%dma_wait3A_52] : memref<4x!tpu.dma_semaphore, #tpu.memory_space<semaphore_mem>> -> memref<1x!tpu.dma_semaphore, #tpu.memory_space<semaphore_mem>>
    %dma_wait3A_54 = tpu.memref_squeeze %dma_wait3A_53 : memref<1x!tpu.dma_semaphore, #tpu.memory_space<semaphore_mem>> -> memref<!tpu.dma_semaphore, #tpu.memory_space<semaphore_mem>>
    %dma_wait3A_55 = arith.constant 0 : i32
    %dma_wait3A_56 = arith.constant 0 : i32
    %dma_wait3A_57 = tpu.memref_slice %arg1[%dma_wait3A_55, %dma_wait3A_56] : memref<100000x128xf32, #tpu.memory_space<hbm>> -> memref<10000x128xf32, #tpu.memory_space<hbm>>
    %dma_wait3A_58 = arith.constant 0 : i32
    %dma_wait3A_59 = arith.constant 0 : i32
    %dma_wait3A_60 = tpu.memref_slice %arg2[%dma_wait3A_58, %dma_wait3A_59] : memref<10000x128xf32, #tpu.memory_space<vmem>> -> memref<10000x128xf32, #tpu.memory_space<vmem>>
    tpu.wait_dma2 semaphore(%dma_wait3A_54 : memref<!tpu.dma_semaphore, #tpu.memory_space<semaphore_mem>>) src(%dma_wait3A_60 : memref<10000x128xf32, #tpu.memory_space<vmem>>) dst(%dma_wait3A_57 : memref<10000x128xf32, #tpu.memory_space<hbm>>)
    %dma_start3A_61 = arith.constant 0 : i32
    %dma_start3A_62 = tpu.memref_slice %arg4[%dma_start3A_61] : memref<4x!tpu.dma_semaphore, #tpu.memory_space<semaphore_mem>> -> memref<1x!tpu.dma_semaphore, #tpu.memory_space<semaphore_mem>>
    %dma_start3A_63 = tpu.memref_squeeze %dma_start3A_62 : memref<1x!tpu.dma_semaphore, #tpu.memory_space<semaphore_mem>> -> memref<!tpu.dma_semaphore, #tpu.memory_space<semaphore_mem>>
    %dma_start3A_64 = arith.constant 0 : i32
    %dma_start3A_65 = arith.constant 0 : i32
    %dma_start3A_66 = tpu.memref_slice %arg2[%dma_start3A_64, %dma_start3A_65] : memref<10000x128xf32, #tpu.memory_space<vmem>> -> memref<10000x128xf32, #tpu.memory_space<vmem>>
    %dma_start3A_67 = arith.constant 20000 : i32
    %dma_start3A_68 = arith.constant 0 : i32
    %dma_start3A_69 = tpu.memref_slice %arg0[%dma_start3A_67, %dma_start3A_68] : memref<100000x128xf32, #tpu.memory_space<hbm>> -> memref<10000x128xf32, #tpu.memory_space<hbm>>
    tpu.enqueue_dma source(%dma_start3A_69 : memref<10000x128xf32, #tpu.memory_space<hbm>>) target(%dma_start3A_66 : memref<10000x128xf32, #tpu.memory_space<vmem>>) target_semaphore(%dma_start3A_63 : memref<!tpu.dma_semaphore, #tpu.memory_space<semaphore_mem>>)
    %dma_wait3A_70 = arith.constant 0 : i32
    %dma_wait3A_71 = tpu.memref_slice %arg4[%dma_wait3A_70] : memref<4x!tpu.dma_semaphore, #tpu.memory_space<semaphore_mem>> -> memref<1x!tpu.dma_semaphore, #tpu.memory_space<semaphore_mem>>
    %dma_wait3A_72 = tpu.memref_squeeze %dma_wait3A_71 : memref<1x!tpu.dma_semaphore, #tpu.memory_space<semaphore_mem>> -> memref<!tpu.dma_semaphore, #tpu.memory_space<semaphore_mem>>
    %dma_wait3A_73 = arith.constant 0 : i32
    %dma_wait3A_74 = arith.constant 0 : i32
    %dma_wait3A_75 = tpu.memref_slice %arg2[%dma_wait3A_73, %dma_wait3A_74] : memref<10000x128xf32, #tpu.memory_space<vmem>> -> memref<10000x128xf32, #tpu.memory_space<vmem>>
    %dma_wait3A_76 = arith.constant 20000 : i32
    %dma_wait3A_77 = arith.constant 0 : i32
    %dma_wait3A_78 = tpu.memref_slice %arg0[%dma_wait3A_76, %dma_wait3A_77] : memref<100000x128xf32, #tpu.memory_space<hbm>> -> memref<10000x128xf32, #tpu.memory_space<hbm>>
    tpu.wait_dma2 semaphore(%dma_wait3A_72 : memref<!tpu.dma_semaphore, #tpu.memory_space<semaphore_mem>>) src(%dma_wait3A_78 : memref<10000x128xf32, #tpu.memory_space<hbm>>) dst(%dma_wait3A_75 : memref<10000x128xf32, #tpu.memory_space<vmem>>)
    %dma_start3A_79 = arith.constant 2 : i32
    %dma_start3A_80 = tpu.memref_slice %arg4[%dma_start3A_79] : memref<4x!tpu.dma_semaphore, #tpu.memory_space<semaphore_mem>> -> memref<1x!tpu.dma_semaphore, #tpu.memory_space<semaphore_mem>>
    %dma_start3A_81 = tpu.memref_squeeze %dma_start3A_80 : memref<1x!tpu.dma_semaphore, #tpu.memory_space<semaphore_mem>> -> memref<!tpu.dma_semaphore, #tpu.memory_space<semaphore_mem>>
    %dma_start3A_82 = arith.constant 20000 : i32
    %dma_start3A_83 = arith.constant 0 : i32
    %dma_start3A_84 = tpu.memref_slice %arg1[%dma_start3A_82, %dma_start3A_83] : memref<100000x128xf32, #tpu.memory_space<hbm>> -> memref<10000x128xf32, #tpu.memory_space<hbm>>
    %dma_start3A_85 = arith.constant 0 : i32
    %dma_start3A_86 = arith.constant 0 : i32
    %dma_start3A_87 = tpu.memref_slice %arg2[%dma_start3A_85, %dma_start3A_86] : memref<10000x128xf32, #tpu.memory_space<vmem>> -> memref<10000x128xf32, #tpu.memory_space<vmem>>
    tpu.enqueue_dma source(%dma_start3A_87 : memref<10000x128xf32, #tpu.memory_space<vmem>>) target(%dma_start3A_84 : memref<10000x128xf32, #tpu.memory_space<hbm>>) target_semaphore(%dma_start3A_81 : memref<!tpu.dma_semaphore, #tpu.memory_space<semaphore_mem>>)
    %dma_wait3A_88 = arith.constant 3 : i32
    %dma_wait3A_89 = tpu.memref_slice %arg4[%dma_wait3A_88] : memref<4x!tpu.dma_semaphore, #tpu.memory_space<semaphore_mem>> -> memref<1x!tpu.dma_semaphore, #tpu.memory_space<semaphore_mem>>
    %dma_wait3A_90 = tpu.memref_squeeze %dma_wait3A_89 : memref<1x!tpu.dma_semaphore, #tpu.memory_space<semaphore_mem>> -> memref<!tpu.dma_semaphore, #tpu.memory_space<semaphore_mem>>
    %dma_wait3A_91 = arith.constant 10000 : i32
    %dma_wait3A_92 = arith.constant 0 : i32
    %dma_wait3A_93 = tpu.memref_slice %arg1[%dma_wait3A_91, %dma_wait3A_92] : memref<100000x128xf32, #tpu.memory_space<hbm>> -> memref<10000x128xf32, #tpu.memory_space<hbm>>
    %dma_wait3A_94 = arith.constant 0 : i32
    %dma_wait3A_95 = arith.constant 0 : i32
    %dma_wait3A_96 = tpu.memref_slice %arg3[%dma_wait3A_94, %dma_wait3A_95] : memref<10000x128xf32, #tpu.memory_space<vmem>> -> memref<10000x128xf32, #tpu.memory_space<vmem>>
    tpu.wait_dma2 semaphore(%dma_wait3A_90 : memref<!tpu.dma_semaphore, #tpu.memory_space<semaphore_mem>>) src(%dma_wait3A_96 : memref<10000x128xf32, #tpu.memory_space<vmem>>) dst(%dma_wait3A_93 : memref<10000x128xf32, #tpu.memory_space<hbm>>)
    %dma_start3A_97 = arith.constant 1 : i32
    %dma_start3A_98 = tpu.memref_slice %arg4[%dma_start3A_97] : memref<4x!tpu.dma_semaphore, #tpu.memory_space<semaphore_mem>> -> memref<1x!tpu.dma_semaphore, #tpu.memory_space<semaphore_mem>>
    %dma_start3A_99 = tpu.memref_squeeze %dma_start3A_98 : memref<1x!tpu.dma_semaphore, #tpu.memory_space<semaphore_mem>> -> memref<!tpu.dma_semaphore, #tpu.memory_space<semaphore_mem>>
    %dma_start3A_100 = arith.constant 0 : i32
    %dma_start3A_101 = arith.constant 0 : i32
    %dma_start3A_102 = tpu.memref_slice %arg3[%dma_start3A_100, %dma_start3A_101] : memref<10000x128xf32, #tpu.memory_space<vmem>> -> memref<10000x128xf32, #tpu.memory_space<vmem>>
    %dma_start3A_103 = arith.constant 30000 : i32
    %dma_start3A_104 = arith.constant 0 : i32
    %dma_start3A_105 = tpu.memref_slice %arg0[%dma_start3A_103, %dma_start3A_104] : memref<100000x128xf32, #tpu.memory_space<hbm>> -> memref<10000x128xf32, #tpu.memory_space<hbm>>
    tpu.enqueue_dma source(%dma_start3A_105 : memref<10000x128xf32, #tpu.memory_space<hbm>>) target(%dma_start3A_102 : memref<10000x128xf32, #tpu.memory_space<vmem>>) target_semaphore(%dma_start3A_99 : memref<!tpu.dma_semaphore, #tpu.memory_space<semaphore_mem>>)
    %dma_wait3A_106 = arith.constant 1 : i32
    %dma_wait3A_107 = tpu.memref_slice %arg4[%dma_wait3A_106] : memref<4x!tpu.dma_semaphore, #tpu.memory_space<semaphore_mem>> -> memref<1x!tpu.dma_semaphore, #tpu.memory_space<semaphore_mem>>
    %dma_wait3A_108 = tpu.memref_squeeze %dma_wait3A_107 : memref<1x!tpu.dma_semaphore, #tpu.memory_space<semaphore_mem>> -> memref<!tpu.dma_semaphore, #tpu.memory_space<semaphore_mem>>
    %dma_wait3A_109 = arith.constant 0 : i32
    %dma_wait3A_110 = arith.constant 0 : i32
    %dma_wait3A_111 = tpu.memref_slice %arg3[%dma_wait3A_109, %dma_wait3A_110] : memref<10000x128xf32, #tpu.memory_space<vmem>> -> memref<10000x128xf32, #tpu.memory_space<vmem>>
    %dma_wait3A_112 = arith.constant 30000 : i32
    %dma_wait3A_113 = arith.constant 0 : i32
    %dma_wait3A_114 = tpu.memref_slice %arg0[%dma_wait3A_112, %dma_wait3A_113] : memref<100000x128xf32, #tpu.memory_space<hbm>> -> memref<10000x128xf32, #tpu.memory_space<hbm>>
    tpu.wait_dma2 semaphore(%dma_wait3A_108 : memref<!tpu.dma_semaphore, #tpu.memory_space<semaphore_mem>>) src(%dma_wait3A_114 : memref<10000x128xf32, #tpu.memory_space<hbm>>) dst(%dma_wait3A_111 : memref<10000x128xf32, #tpu.memory_space<vmem>>)
    %dma_start3A_115 = arith.constant 3 : i32
    %dma_start3A_116 = tpu.memref_slice %arg4[%dma_start3A_115] : memref<4x!tpu.dma_semaphore, #tpu.memory_space<semaphore_mem>> -> memref<1x!tpu.dma_semaphore, #tpu.memory_space<semaphore_mem>>
    %dma_start3A_117 = tpu.memref_squeeze %dma_start3A_116 : memref<1x!tpu.dma_semaphore, #tpu.memory_space<semaphore_mem>> -> memref<!tpu.dma_semaphore, #tpu.memory_space<semaphore_mem>>
    %dma_start3A_118 = arith.constant 30000 : i32
    %dma_start3A_119 = arith.constant 0 : i32
    %dma_start3A_120 = tpu.memref_slice %arg1[%dma_start3A_118, %dma_start3A_119] : memref<100000x128xf32, #tpu.memory_space<hbm>> -> memref<10000x128xf32, #tpu.memory_space<hbm>>
    %dma_start3A_121 = arith.constant 0 : i32
    %dma_start3A_122 = arith.constant 0 : i32
    %dma_start3A_123 = tpu.memref_slice %arg3[%dma_start3A_121, %dma_start3A_122] : memref<10000x128xf32, #tpu.memory_space<vmem>> -> memref<10000x128xf32, #tpu.memory_space<vmem>>
    tpu.enqueue_dma source(%dma_start3A_123 : memref<10000x128xf32, #tpu.memory_space<vmem>>) target(%dma_start3A_120 : memref<10000x128xf32, #tpu.memory_space<hbm>>) target_semaphore(%dma_start3A_117 : memref<!tpu.dma_semaphore, #tpu.memory_space<semaphore_mem>>)
    %dma_wait3A_124 = arith.constant 2 : i32
    %dma_wait3A_125 = tpu.memref_slice %arg4[%dma_wait3A_124] : memref<4x!tpu.dma_semaphore, #tpu.memory_space<semaphore_mem>> -> memref<1x!tpu.dma_semaphore, #tpu.memory_space<semaphore_mem>>
    %dma_wait3A_126 = tpu.memref_squeeze %dma_wait3A_125 : memref<1x!tpu.dma_semaphore, #tpu.memory_space<semaphore_mem>> -> memref<!tpu.dma_semaphore, #tpu.memory_space<semaphore_mem>>
    %dma_wait3A_127 = arith.constant 20000 : i32
    %dma_wait3A_128 = arith.constant 0 : i32
    %dma_wait3A_129 = tpu.memref_slice %arg1[%dma_wait3A_127, %dma_wait3A_128] : memref<100000x128xf32, #tpu.memory_space<hbm>> -> memref<10000x128xf32, #tpu.memory_space<hbm>>
    %dma_wait3A_130 = arith.constant 0 : i32
    %dma_wait3A_131 = arith.constant 0 : i32
    %dma_wait3A_132 = tpu.memref_slice %arg2[%dma_wait3A_130, %dma_wait3A_131] : memref<10000x128xf32, #tpu.memory_space<vmem>> -> memref<10000x128xf32, #tpu.memory_space<vmem>>
    tpu.wait_dma2 semaphore(%dma_wait3A_126 : memref<!tpu.dma_semaphore, #tpu.memory_space<semaphore_mem>>) src(%dma_wait3A_132 : memref<10000x128xf32, #tpu.memory_space<vmem>>) dst(%dma_wait3A_129 : memref<10000x128xf32, #tpu.memory_space<hbm>>)
    %dma_start3A_133 = arith.constant 0 : i32
    %dma_start3A_134 = tpu.memref_slice %arg4[%dma_start3A_133] : memref<4x!tpu.dma_semaphore, #tpu.memory_space<semaphore_mem>> -> memref<1x!tpu.dma_semaphore, #tpu.memory_space<semaphore_mem>>
    %dma_start3A_135 = tpu.memref_squeeze %dma_start3A_134 : memref<1x!tpu.dma_semaphore, #tpu.memory_space<semaphore_mem>> -> memref<!tpu.dma_semaphore, #tpu.memory_space<semaphore_mem>>
    %dma_start3A_136 = arith.constant 0 : i32
    %dma_start3A_137 = arith.constant 0 : i32
    %dma_start3A_138 = tpu.memref_slice %arg2[%dma_start3A_136, %dma_start3A_137] : memref<10000x128xf32, #tpu.memory_space<vmem>> -> memref<10000x128xf32, #tpu.memory_space<vmem>>
    %dma_start3A_139 = arith.constant 40000 : i32
    %dma_start3A_140 = arith.constant 0 : i32
    %dma_start3A_141 = tpu.memref_slice %arg0[%dma_start3A_139, %dma_start3A_140] : memref<100000x128xf32, #tpu.memory_space<hbm>> -> memref<10000x128xf32, #tpu.memory_space<hbm>>
    tpu.enqueue_dma source(%dma_start3A_141 : memref<10000x128xf32, #tpu.memory_space<hbm>>) target(%dma_start3A_138 : memref<10000x128xf32, #tpu.memory_space<vmem>>) target_semaphore(%dma_start3A_135 : memref<!tpu.dma_semaphore, #tpu.memory_space<semaphore_mem>>)
    %dma_wait3A_142 = arith.constant 0 : i32
    %dma_wait3A_143 = tpu.memref_slice %arg4[%dma_wait3A_142] : memref<4x!tpu.dma_semaphore, #tpu.memory_space<semaphore_mem>> -> memref<1x!tpu.dma_semaphore, #tpu.memory_space<semaphore_mem>>
    %dma_wait3A_144 = tpu.memref_squeeze %dma_wait3A_143 : memref<1x!tpu.dma_semaphore, #tpu.memory_space<semaphore_mem>> -> memref<!tpu.dma_semaphore, #tpu.memory_space<semaphore_mem>>
    %dma_wait3A_145 = arith.constant 0 : i32
    %dma_wait3A_146 = arith.constant 0 : i32
    %dma_wait3A_147 = tpu.memref_slice %arg2[%dma_wait3A_145, %dma_wait3A_146] : memref<10000x128xf32, #tpu.memory_space<vmem>> -> memref<10000x128xf32, #tpu.memory_space<vmem>>
    %dma_wait3A_148 = arith.constant 40000 : i32
    %dma_wait3A_149 = arith.constant 0 : i32
    %dma_wait3A_150 = tpu.memref_slice %arg0[%dma_wait3A_148, %dma_wait3A_149] : memref<100000x128xf32, #tpu.memory_space<hbm>> -> memref<10000x128xf32, #tpu.memory_space<hbm>>
    tpu.wait_dma2 semaphore(%dma_wait3A_144 : memref<!tpu.dma_semaphore, #tpu.memory_space<semaphore_mem>>) src(%dma_wait3A_150 : memref<10000x128xf32, #tpu.memory_space<hbm>>) dst(%dma_wait3A_147 : memref<10000x128xf32, #tpu.memory_space<vmem>>)
    %dma_start3A_151 = arith.constant 2 : i32
    %dma_start3A_152 = tpu.memref_slice %arg4[%dma_start3A_151] : memref<4x!tpu.dma_semaphore, #tpu.memory_space<semaphore_mem>> -> memref<1x!tpu.dma_semaphore, #tpu.memory_space<semaphore_mem>>
    %dma_start3A_153 = tpu.memref_squeeze %dma_start3A_152 : memref<1x!tpu.dma_semaphore, #tpu.memory_space<semaphore_mem>> -> memref<!tpu.dma_semaphore, #tpu.memory_space<semaphore_mem>>
    %dma_start3A_154 = arith.constant 40000 : i32
    %dma_start3A_155 = arith.constant 0 : i32
    %dma_start3A_156 = tpu.memref_slice %arg1[%dma_start3A_154, %dma_start3A_155] : memref<100000x128xf32, #tpu.memory_space<hbm>> -> memref<10000x128xf32, #tpu.memory_space<hbm>>
    %dma_start3A_157 = arith.constant 0 : i32
    %dma_start3A_158 = arith.constant 0 : i32
    %dma_start3A_159 = tpu.memref_slice %arg2[%dma_start3A_157, %dma_start3A_158] : memref<10000x128xf32, #tpu.memory_space<vmem>> -> memref<10000x128xf32, #tpu.memory_space<vmem>>
    tpu.enqueue_dma source(%dma_start3A_159 : memref<10000x128xf32, #tpu.memory_space<vmem>>) target(%dma_start3A_156 : memref<10000x128xf32, #tpu.memory_space<hbm>>) target_semaphore(%dma_start3A_153 : memref<!tpu.dma_semaphore, #tpu.memory_space<semaphore_mem>>)
    %dma_wait3A_160 = arith.constant 3 : i32
    %dma_wait3A_161 = tpu.memref_slice %arg4[%dma_wait3A_160] : memref<4x!tpu.dma_semaphore, #tpu.memory_space<semaphore_mem>> -> memref<1x!tpu.dma_semaphore, #tpu.memory_space<semaphore_mem>>
    %dma_wait3A_162 = tpu.memref_squeeze %dma_wait3A_161 : memref<1x!tpu.dma_semaphore, #tpu.memory_space<semaphore_mem>> -> memref<!tpu.dma_semaphore, #tpu.memory_space<semaphore_mem>>
    %dma_wait3A_163 = arith.constant 30000 : i32
    %dma_wait3A_164 = arith.constant 0 : i32
    %dma_wait3A_165 = tpu.memref_slice %arg1[%dma_wait3A_163, %dma_wait3A_164] : memref<100000x128xf32, #tpu.memory_space<hbm>> -> memref<10000x128xf32, #tpu.memory_space<hbm>>
    %dma_wait3A_166 = arith.constant 0 : i32
    %dma_wait3A_167 = arith.constant 0 : i32
    %dma_wait3A_168 = tpu.memref_slice %arg3[%dma_wait3A_166, %dma_wait3A_167] : memref<10000x128xf32, #tpu.memory_space<vmem>> -> memref<10000x128xf32, #tpu.memory_space<vmem>>
    tpu.wait_dma2 semaphore(%dma_wait3A_162 : memref<!tpu.dma_semaphore, #tpu.memory_space<semaphore_mem>>) src(%dma_wait3A_168 : memref<10000x128xf32, #tpu.memory_space<vmem>>) dst(%dma_wait3A_165 : memref<10000x128xf32, #tpu.memory_space<hbm>>)
    %dma_start3A_169 = arith.constant 1 : i32
    %dma_start3A_170 = tpu.memref_slice %arg4[%dma_start3A_169] : memref<4x!tpu.dma_semaphore, #tpu.memory_space<semaphore_mem>> -> memref<1x!tpu.dma_semaphore, #tpu.memory_space<semaphore_mem>>
    %dma_start3A_171 = tpu.memref_squeeze %dma_start3A_170 : memref<1x!tpu.dma_semaphore, #tpu.memory_space<semaphore_mem>> -> memref<!tpu.dma_semaphore, #tpu.memory_space<semaphore_mem>>
    %dma_start3A_172 = arith.constant 0 : i32
    %dma_start3A_173 = arith.constant 0 : i32
    %dma_start3A_174 = tpu.memref_slice %arg3[%dma_start3A_172, %dma_start3A_173] : memref<10000x128xf32, #tpu.memory_space<vmem>> -> memref<10000x128xf32, #tpu.memory_space<vmem>>
    %dma_start3A_175 = arith.constant 50000 : i32
    %dma_start3A_176 = arith.constant 0 : i32
    %dma_start3A_177 = tpu.memref_slice %arg0[%dma_start3A_175, %dma_start3A_176] : memref<100000x128xf32, #tpu.memory_space<hbm>> -> memref<10000x128xf32, #tpu.memory_space<hbm>>
    tpu.enqueue_dma source(%dma_start3A_177 : memref<10000x128xf32, #tpu.memory_space<hbm>>) target(%dma_start3A_174 : memref<10000x128xf32, #tpu.memory_space<vmem>>) target_semaphore(%dma_start3A_171 : memref<!tpu.dma_semaphore, #tpu.memory_space<semaphore_mem>>)
    %dma_wait3A_178 = arith.constant 1 : i32
    %dma_wait3A_179 = tpu.memref_slice %arg4[%dma_wait3A_178] : memref<4x!tpu.dma_semaphore, #tpu.memory_space<semaphore_mem>> -> memref<1x!tpu.dma_semaphore, #tpu.memory_space<semaphore_mem>>
    %dma_wait3A_180 = tpu.memref_squeeze %dma_wait3A_179 : memref<1x!tpu.dma_semaphore, #tpu.memory_space<semaphore_mem>> -> memref<!tpu.dma_semaphore, #tpu.memory_space<semaphore_mem>>
    %dma_wait3A_181 = arith.constant 0 : i32
    %dma_wait3A_182 = arith.constant 0 : i32
    %dma_wait3A_183 = tpu.memref_slice %arg3[%dma_wait3A_181, %dma_wait3A_182] : memref<10000x128xf32, #tpu.memory_space<vmem>> -> memref<10000x128xf32, #tpu.memory_space<vmem>>
    %dma_wait3A_184 = arith.constant 50000 : i32
    %dma_wait3A_185 = arith.constant 0 : i32
    %dma_wait3A_186 = tpu.memref_slice %arg0[%dma_wait3A_184, %dma_wait3A_185] : memref<100000x128xf32, #tpu.memory_space<hbm>> -> memref<10000x128xf32, #tpu.memory_space<hbm>>
    tpu.wait_dma2 semaphore(%dma_wait3A_180 : memref<!tpu.dma_semaphore, #tpu.memory_space<semaphore_mem>>) src(%dma_wait3A_186 : memref<10000x128xf32, #tpu.memory_space<hbm>>) dst(%dma_wait3A_183 : memref<10000x128xf32, #tpu.memory_space<vmem>>)
    %dma_start3A_187 = arith.constant 3 : i32
    %dma_start3A_188 = tpu.memref_slice %arg4[%dma_start3A_187] : memref<4x!tpu.dma_semaphore, #tpu.memory_space<semaphore_mem>> -> memref<1x!tpu.dma_semaphore, #tpu.memory_space<semaphore_mem>>
    %dma_start3A_189 = tpu.memref_squeeze %dma_start3A_188 : memref<1x!tpu.dma_semaphore, #tpu.memory_space<semaphore_mem>> -> memref<!tpu.dma_semaphore, #tpu.memory_space<semaphore_mem>>
    %dma_start3A_190 = arith.constant 50000 : i32
    %dma_start3A_191 = arith.constant 0 : i32
    %dma_start3A_192 = tpu.memref_slice %arg1[%dma_start3A_190, %dma_start3A_191] : memref<100000x128xf32, #tpu.memory_space<hbm>> -> memref<10000x128xf32, #tpu.memory_space<hbm>>
    %dma_start3A_193 = arith.constant 0 : i32
    %dma_start3A_194 = arith.constant 0 : i32
    %dma_start3A_195 = tpu.memref_slice %arg3[%dma_start3A_193, %dma_start3A_194] : memref<10000x128xf32, #tpu.memory_space<vmem>> -> memref<10000x128xf32, #tpu.memory_space<vmem>>
    tpu.enqueue_dma source(%dma_start3A_195 : memref<10000x128xf32, #tpu.memory_space<vmem>>) target(%dma_start3A_192 : memref<10000x128xf32, #tpu.memory_space<hbm>>) target_semaphore(%dma_start3A_189 : memref<!tpu.dma_semaphore, #tpu.memory_space<semaphore_mem>>)
    %dma_wait3A_196 = arith.constant 2 : i32
    %dma_wait3A_197 = tpu.memref_slice %arg4[%dma_wait3A_196] : memref<4x!tpu.dma_semaphore, #tpu.memory_space<semaphore_mem>> -> memref<1x!tpu.dma_semaphore, #tpu.memory_space<semaphore_mem>>
    %dma_wait3A_198 = tpu.memref_squeeze %dma_wait3A_197 : memref<1x!tpu.dma_semaphore, #tpu.memory_space<semaphore_mem>> -> memref<!tpu.dma_semaphore, #tpu.memory_space<semaphore_mem>>
    %dma_wait3A_199 = arith.constant 40000 : i32
    %dma_wait3A_200 = arith.constant 0 : i32
    %dma_wait3A_201 = tpu.memref_slice %arg1[%dma_wait3A_199, %dma_wait3A_200] : memref<100000x128xf32, #tpu.memory_space<hbm>> -> memref<10000x128xf32, #tpu.memory_space<hbm>>
    %dma_wait3A_202 = arith.constant 0 : i32
    %dma_wait3A_203 = arith.constant 0 : i32
    %dma_wait3A_204 = tpu.memref_slice %arg2[%dma_wait3A_202, %dma_wait3A_203] : memref<10000x128xf32, #tpu.memory_space<vmem>> -> memref<10000x128xf32, #tpu.memory_space<vmem>>
    tpu.wait_dma2 semaphore(%dma_wait3A_198 : memref<!tpu.dma_semaphore, #tpu.memory_space<semaphore_mem>>) src(%dma_wait3A_204 : memref<10000x128xf32, #tpu.memory_space<vmem>>) dst(%dma_wait3A_201 : memref<10000x128xf32, #tpu.memory_space<hbm>>)
    %dma_start3A_205 = arith.constant 0 : i32
    %dma_start3A_206 = tpu.memref_slice %arg4[%dma_start3A_205] : memref<4x!tpu.dma_semaphore, #tpu.memory_space<semaphore_mem>> -> memref<1x!tpu.dma_semaphore, #tpu.memory_space<semaphore_mem>>
    %dma_start3A_207 = tpu.memref_squeeze %dma_start3A_206 : memref<1x!tpu.dma_semaphore, #tpu.memory_space<semaphore_mem>> -> memref<!tpu.dma_semaphore, #tpu.memory_space<semaphore_mem>>
    %dma_start3A_208 = arith.constant 0 : i32
    %dma_start3A_209 = arith.constant 0 : i32
    %dma_start3A_210 = tpu.memref_slice %arg2[%dma_start3A_208, %dma_start3A_209] : memref<10000x128xf32, #tpu.memory_space<vmem>> -> memref<10000x128xf32, #tpu.memory_space<vmem>>
    %dma_start3A_211 = arith.constant 60000 : i32
    %dma_start3A_212 = arith.constant 0 : i32
    %dma_start3A_213 = tpu.memref_slice %arg0[%dma_start3A_211, %dma_start3A_212] : memref<100000x128xf32, #tpu.memory_space<hbm>> -> memref<10000x128xf32, #tpu.memory_space<hbm>>
    tpu.enqueue_dma source(%dma_start3A_213 : memref<10000x128xf32, #tpu.memory_space<hbm>>) target(%dma_start3A_210 : memref<10000x128xf32, #tpu.memory_space<vmem>>) target_semaphore(%dma_start3A_207 : memref<!tpu.dma_semaphore, #tpu.memory_space<semaphore_mem>>)
    %dma_wait3A_214 = arith.constant 0 : i32
    %dma_wait3A_215 = tpu.memref_slice %arg4[%dma_wait3A_214] : memref<4x!tpu.dma_semaphore, #tpu.memory_space<semaphore_mem>> -> memref<1x!tpu.dma_semaphore, #tpu.memory_space<semaphore_mem>>
    %dma_wait3A_216 = tpu.memref_squeeze %dma_wait3A_215 : memref<1x!tpu.dma_semaphore, #tpu.memory_space<semaphore_mem>> -> memref<!tpu.dma_semaphore, #tpu.memory_space<semaphore_mem>>
    %dma_wait3A_217 = arith.constant 0 : i32
    %dma_wait3A_218 = arith.constant 0 : i32
    %dma_wait3A_219 = tpu.memref_slice %arg2[%dma_wait3A_217, %dma_wait3A_218] : memref<10000x128xf32, #tpu.memory_space<vmem>> -> memref<10000x128xf32, #tpu.memory_space<vmem>>
    %dma_wait3A_220 = arith.constant 60000 : i32
    %dma_wait3A_221 = arith.constant 0 : i32
    %dma_wait3A_222 = tpu.memref_slice %arg0[%dma_wait3A_220, %dma_wait3A_221] : memref<100000x128xf32, #tpu.memory_space<hbm>> -> memref<10000x128xf32, #tpu.memory_space<hbm>>
    tpu.wait_dma2 semaphore(%dma_wait3A_216 : memref<!tpu.dma_semaphore, #tpu.memory_space<semaphore_mem>>) src(%dma_wait3A_222 : memref<10000x128xf32, #tpu.memory_space<hbm>>) dst(%dma_wait3A_219 : memref<10000x128xf32, #tpu.memory_space<vmem>>)
    %dma_start3A_223 = arith.constant 2 : i32
    %dma_start3A_224 = tpu.memref_slice %arg4[%dma_start3A_223] : memref<4x!tpu.dma_semaphore, #tpu.memory_space<semaphore_mem>> -> memref<1x!tpu.dma_semaphore, #tpu.memory_space<semaphore_mem>>
    %dma_start3A_225 = tpu.memref_squeeze %dma_start3A_224 : memref<1x!tpu.dma_semaphore, #tpu.memory_space<semaphore_mem>> -> memref<!tpu.dma_semaphore, #tpu.memory_space<semaphore_mem>>
    %dma_start3A_226 = arith.constant 60000 : i32
    %dma_start3A_227 = arith.constant 0 : i32
    %dma_start3A_228 = tpu.memref_slice %arg1[%dma_start3A_226, %dma_start3A_227] : memref<100000x128xf32, #tpu.memory_space<hbm>> -> memref<10000x128xf32, #tpu.memory_space<hbm>>
    %dma_start3A_229 = arith.constant 0 : i32
    %dma_start3A_230 = arith.constant 0 : i32
    %dma_start3A_231 = tpu.memref_slice %arg2[%dma_start3A_229, %dma_start3A_230] : memref<10000x128xf32, #tpu.memory_space<vmem>> -> memref<10000x128xf32, #tpu.memory_space<vmem>>
    tpu.enqueue_dma source(%dma_start3A_231 : memref<10000x128xf32, #tpu.memory_space<vmem>>) target(%dma_start3A_228 : memref<10000x128xf32, #tpu.memory_space<hbm>>) target_semaphore(%dma_start3A_225 : memref<!tpu.dma_semaphore, #tpu.memory_space<semaphore_mem>>)
    %dma_wait3A_232 = arith.constant 3 : i32
    %dma_wait3A_233 = tpu.memref_slice %arg4[%dma_wait3A_232] : memref<4x!tpu.dma_semaphore, #tpu.memory_space<semaphore_mem>> -> memref<1x!tpu.dma_semaphore, #tpu.memory_space<semaphore_mem>>
    %dma_wait3A_234 = tpu.memref_squeeze %dma_wait3A_233 : memref<1x!tpu.dma_semaphore, #tpu.memory_space<semaphore_mem>> -> memref<!tpu.dma_semaphore, #tpu.memory_space<semaphore_mem>>
    %dma_wait3A_235 = arith.constant 50000 : i32
    %dma_wait3A_236 = arith.constant 0 : i32
    %dma_wait3A_237 = tpu.memref_slice %arg1[%dma_wait3A_235, %dma_wait3A_236] : memref<100000x128xf32, #tpu.memory_space<hbm>> -> memref<10000x128xf32, #tpu.memory_space<hbm>>
    %dma_wait3A_238 = arith.constant 0 : i32
    %dma_wait3A_239 = arith.constant 0 : i32
    %dma_wait3A_240 = tpu.memref_slice %arg3[%dma_wait3A_238, %dma_wait3A_239] : memref<10000x128xf32, #tpu.memory_space<vmem>> -> memref<10000x128xf32, #tpu.memory_space<vmem>>
    tpu.wait_dma2 semaphore(%dma_wait3A_234 : memref<!tpu.dma_semaphore, #tpu.memory_space<semaphore_mem>>) src(%dma_wait3A_240 : memref<10000x128xf32, #tpu.memory_space<vmem>>) dst(%dma_wait3A_237 : memref<10000x128xf32, #tpu.memory_space<hbm>>)
    %dma_start3A_241 = arith.constant 1 : i32
    %dma_start3A_242 = tpu.memref_slice %arg4[%dma_start3A_241] : memref<4x!tpu.dma_semaphore, #tpu.memory_space<semaphore_mem>> -> memref<1x!tpu.dma_semaphore, #tpu.memory_space<semaphore_mem>>
    %dma_start3A_243 = tpu.memref_squeeze %dma_start3A_242 : memref<1x!tpu.dma_semaphore, #tpu.memory_space<semaphore_mem>> -> memref<!tpu.dma_semaphore, #tpu.memory_space<semaphore_mem>>
    %dma_start3A_244 = arith.constant 0 : i32
    %dma_start3A_245 = arith.constant 0 : i32
    %dma_start3A_246 = tpu.memref_slice %arg3[%dma_start3A_244, %dma_start3A_245] : memref<10000x128xf32, #tpu.memory_space<vmem>> -> memref<10000x128xf32, #tpu.memory_space<vmem>>
    %dma_start3A_247 = arith.constant 70000 : i32
    %dma_start3A_248 = arith.constant 0 : i32
    %dma_start3A_249 = tpu.memref_slice %arg0[%dma_start3A_247, %dma_start3A_248] : memref<100000x128xf32, #tpu.memory_space<hbm>> -> memref<10000x128xf32, #tpu.memory_space<hbm>>
    tpu.enqueue_dma source(%dma_start3A_249 : memref<10000x128xf32, #tpu.memory_space<hbm>>) target(%dma_start3A_246 : memref<10000x128xf32, #tpu.memory_space<vmem>>) target_semaphore(%dma_start3A_243 : memref<!tpu.dma_semaphore, #tpu.memory_space<semaphore_mem>>)
    %dma_wait3A_250 = arith.constant 1 : i32
    %dma_wait3A_251 = tpu.memref_slice %arg4[%dma_wait3A_250] : memref<4x!tpu.dma_semaphore, #tpu.memory_space<semaphore_mem>> -> memref<1x!tpu.dma_semaphore, #tpu.memory_space<semaphore_mem>>
    %dma_wait3A_252 = tpu.memref_squeeze %dma_wait3A_251 : memref<1x!tpu.dma_semaphore, #tpu.memory_space<semaphore_mem>> -> memref<!tpu.dma_semaphore, #tpu.memory_space<semaphore_mem>>
    %dma_wait3A_253 = arith.constant 0 : i32
    %dma_wait3A_254 = arith.constant 0 : i32
    %dma_wait3A_255 = tpu.memref_slice %arg3[%dma_wait3A_253, %dma_wait3A_254] : memref<10000x128xf32, #tpu.memory_space<vmem>> -> memref<10000x128xf32, #tpu.memory_space<vmem>>
    %dma_wait3A_256 = arith.constant 70000 : i32
    %dma_wait3A_257 = arith.constant 0 : i32
    %dma_wait3A_258 = tpu.memref_slice %arg0[%dma_wait3A_256, %dma_wait3A_257] : memref<100000x128xf32, #tpu.memory_space<hbm>> -> memref<10000x128xf32, #tpu.memory_space<hbm>>
    tpu.wait_dma2 semaphore(%dma_wait3A_252 : memref<!tpu.dma_semaphore, #tpu.memory_space<semaphore_mem>>) src(%dma_wait3A_258 : memref<10000x128xf32, #tpu.memory_space<hbm>>) dst(%dma_wait3A_255 : memref<10000x128xf32, #tpu.memory_space<vmem>>)
    %dma_start3A_259 = arith.constant 3 : i32
    %dma_start3A_260 = tpu.memref_slice %arg4[%dma_start3A_259] : memref<4x!tpu.dma_semaphore, #tpu.memory_space<semaphore_mem>> -> memref<1x!tpu.dma_semaphore, #tpu.memory_space<semaphore_mem>>
    %dma_start3A_261 = tpu.memref_squeeze %dma_start3A_260 : memref<1x!tpu.dma_semaphore, #tpu.memory_space<semaphore_mem>> -> memref<!tpu.dma_semaphore, #tpu.memory_space<semaphore_mem>>
    %dma_start3A_262 = arith.constant 70000 : i32
    %dma_start3A_263 = arith.constant 0 : i32
    %dma_start3A_264 = tpu.memref_slice %arg1[%dma_start3A_262, %dma_start3A_263] : memref<100000x128xf32, #tpu.memory_space<hbm>> -> memref<10000x128xf32, #tpu.memory_space<hbm>>
    %dma_start3A_265 = arith.constant 0 : i32
    %dma_start3A_266 = arith.constant 0 : i32
    %dma_start3A_267 = tpu.memref_slice %arg3[%dma_start3A_265, %dma_start3A_266] : memref<10000x128xf32, #tpu.memory_space<vmem>> -> memref<10000x128xf32, #tpu.memory_space<vmem>>
    tpu.enqueue_dma source(%dma_start3A_267 : memref<10000x128xf32, #tpu.memory_space<vmem>>) target(%dma_start3A_264 : memref<10000x128xf32, #tpu.memory_space<hbm>>) target_semaphore(%dma_start3A_261 : memref<!tpu.dma_semaphore, #tpu.memory_space<semaphore_mem>>)
    %dma_wait3A_268 = arith.constant 2 : i32
    %dma_wait3A_269 = tpu.memref_slice %arg4[%dma_wait3A_268] : memref<4x!tpu.dma_semaphore, #tpu.memory_space<semaphore_mem>> -> memref<1x!tpu.dma_semaphore, #tpu.memory_space<semaphore_mem>>
    %dma_wait3A_270 = tpu.memref_squeeze %dma_wait3A_269 : memref<1x!tpu.dma_semaphore, #tpu.memory_space<semaphore_mem>> -> memref<!tpu.dma_semaphore, #tpu.memory_space<semaphore_mem>>
    %dma_wait3A_271 = arith.constant 60000 : i32
    %dma_wait3A_272 = arith.constant 0 : i32
    %dma_wait3A_273 = tpu.memref_slice %arg1[%dma_wait3A_271, %dma_wait3A_272] : memref<100000x128xf32, #tpu.memory_space<hbm>> -> memref<10000x128xf32, #tpu.memory_space<hbm>>
    %dma_wait3A_274 = arith.constant 0 : i32
    %dma_wait3A_275 = arith.constant 0 : i32
    %dma_wait3A_276 = tpu.memref_slice %arg2[%dma_wait3A_274, %dma_wait3A_275] : memref<10000x128xf32, #tpu.memory_space<vmem>> -> memref<10000x128xf32, #tpu.memory_space<vmem>>
    tpu.wait_dma2 semaphore(%dma_wait3A_270 : memref<!tpu.dma_semaphore, #tpu.memory_space<semaphore_mem>>) src(%dma_wait3A_276 : memref<10000x128xf32, #tpu.memory_space<vmem>>) dst(%dma_wait3A_273 : memref<10000x128xf32, #tpu.memory_space<hbm>>)
    %dma_start3A_277 = arith.constant 0 : i32
    %dma_start3A_278 = tpu.memref_slice %arg4[%dma_start3A_277] : memref<4x!tpu.dma_semaphore, #tpu.memory_space<semaphore_mem>> -> memref<1x!tpu.dma_semaphore, #tpu.memory_space<semaphore_mem>>
    %dma_start3A_279 = tpu.memref_squeeze %dma_start3A_278 : memref<1x!tpu.dma_semaphore, #tpu.memory_space<semaphore_mem>> -> memref<!tpu.dma_semaphore, #tpu.memory_space<semaphore_mem>>
    %dma_start3A_280 = arith.constant 0 : i32
    %dma_start3A_281 = arith.constant 0 : i32
    %dma_start3A_282 = tpu.memref_slice %arg2[%dma_start3A_280, %dma_start3A_281] : memref<10000x128xf32, #tpu.memory_space<vmem>> -> memref<10000x128xf32, #tpu.memory_space<vmem>>
    %dma_start3A_283 = arith.constant 80000 : i32
    %dma_start3A_284 = arith.constant 0 : i32
    %dma_start3A_285 = tpu.memref_slice %arg0[%dma_start3A_283, %dma_start3A_284] : memref<100000x128xf32, #tpu.memory_space<hbm>> -> memref<10000x128xf32, #tpu.memory_space<hbm>>
    tpu.enqueue_dma source(%dma_start3A_285 : memref<10000x128xf32, #tpu.memory_space<hbm>>) target(%dma_start3A_282 : memref<10000x128xf32, #tpu.memory_space<vmem>>) target_semaphore(%dma_start3A_279 : memref<!tpu.dma_semaphore, #tpu.memory_space<semaphore_mem>>)
    %dma_wait3A_286 = arith.constant 0 : i32
    %dma_wait3A_287 = tpu.memref_slice %arg4[%dma_wait3A_286] : memref<4x!tpu.dma_semaphore, #tpu.memory_space<semaphore_mem>> -> memref<1x!tpu.dma_semaphore, #tpu.memory_space<semaphore_mem>>
    %dma_wait3A_288 = tpu.memref_squeeze %dma_wait3A_287 : memref<1x!tpu.dma_semaphore, #tpu.memory_space<semaphore_mem>> -> memref<!tpu.dma_semaphore, #tpu.memory_space<semaphore_mem>>
    %dma_wait3A_289 = arith.constant 0 : i32
    %dma_wait3A_290 = arith.constant 0 : i32
    %dma_wait3A_291 = tpu.memref_slice %arg2[%dma_wait3A_289, %dma_wait3A_290] : memref<10000x128xf32, #tpu.memory_space<vmem>> -> memref<10000x128xf32, #tpu.memory_space<vmem>>
    %dma_wait3A_292 = arith.constant 80000 : i32
    %dma_wait3A_293 = arith.constant 0 : i32
    %dma_wait3A_294 = tpu.memref_slice %arg0[%dma_wait3A_292, %dma_wait3A_293] : memref<100000x128xf32, #tpu.memory_space<hbm>> -> memref<10000x128xf32, #tpu.memory_space<hbm>>
    tpu.wait_dma2 semaphore(%dma_wait3A_288 : memref<!tpu.dma_semaphore, #tpu.memory_space<semaphore_mem>>) src(%dma_wait3A_294 : memref<10000x128xf32, #tpu.memory_space<hbm>>) dst(%dma_wait3A_291 : memref<10000x128xf32, #tpu.memory_space<vmem>>)
    %dma_start3A_295 = arith.constant 2 : i32
    %dma_start3A_296 = tpu.memref_slice %arg4[%dma_start3A_295] : memref<4x!tpu.dma_semaphore, #tpu.memory_space<semaphore_mem>> -> memref<1x!tpu.dma_semaphore, #tpu.memory_space<semaphore_mem>>
    %dma_start3A_297 = tpu.memref_squeeze %dma_start3A_296 : memref<1x!tpu.dma_semaphore, #tpu.memory_space<semaphore_mem>> -> memref<!tpu.dma_semaphore, #tpu.memory_space<semaphore_mem>>
    %dma_start3A_298 = arith.constant 80000 : i32
    %dma_start3A_299 = arith.constant 0 : i32
    %dma_start3A_300 = tpu.memref_slice %arg1[%dma_start3A_298, %dma_start3A_299] : memref<100000x128xf32, #tpu.memory_space<hbm>> -> memref<10000x128xf32, #tpu.memory_space<hbm>>
    %dma_start3A_301 = arith.constant 0 : i32
    %dma_start3A_302 = arith.constant 0 : i32
    %dma_start3A_303 = tpu.memref_slice %arg2[%dma_start3A_301, %dma_start3A_302] : memref<10000x128xf32, #tpu.memory_space<vmem>> -> memref<10000x128xf32, #tpu.memory_space<vmem>>
    tpu.enqueue_dma source(%dma_start3A_303 : memref<10000x128xf32, #tpu.memory_space<vmem>>) target(%dma_start3A_300 : memref<10000x128xf32, #tpu.memory_space<hbm>>) target_semaphore(%dma_start3A_297 : memref<!tpu.dma_semaphore, #tpu.memory_space<semaphore_mem>>)
    %dma_wait3A_304 = arith.constant 3 : i32
    %dma_wait3A_305 = tpu.memref_slice %arg4[%dma_wait3A_304] : memref<4x!tpu.dma_semaphore, #tpu.memory_space<semaphore_mem>> -> memref<1x!tpu.dma_semaphore, #tpu.memory_space<semaphore_mem>>
    %dma_wait3A_306 = tpu.memref_squeeze %dma_wait3A_305 : memref<1x!tpu.dma_semaphore, #tpu.memory_space<semaphore_mem>> -> memref<!tpu.dma_semaphore, #tpu.memory_space<semaphore_mem>>
    %dma_wait3A_307 = arith.constant 70000 : i32
    %dma_wait3A_308 = arith.constant 0 : i32
    %dma_wait3A_309 = tpu.memref_slice %arg1[%dma_wait3A_307, %dma_wait3A_308] : memref<100000x128xf32, #tpu.memory_space<hbm>> -> memref<10000x128xf32, #tpu.memory_space<hbm>>
    %dma_wait3A_310 = arith.constant 0 : i32
    %dma_wait3A_311 = arith.constant 0 : i32
    %dma_wait3A_312 = tpu.memref_slice %arg3[%dma_wait3A_310, %dma_wait3A_311] : memref<10000x128xf32, #tpu.memory_space<vmem>> -> memref<10000x128xf32, #tpu.memory_space<vmem>>
    tpu.wait_dma2 semaphore(%dma_wait3A_306 : memref<!tpu.dma_semaphore, #tpu.memory_space<semaphore_mem>>) src(%dma_wait3A_312 : memref<10000x128xf32, #tpu.memory_space<vmem>>) dst(%dma_wait3A_309 : memref<10000x128xf32, #tpu.memory_space<hbm>>)
    %dma_start3A_313 = arith.constant 1 : i32
    %dma_start3A_314 = tpu.memref_slice %arg4[%dma_start3A_313] : memref<4x!tpu.dma_semaphore, #tpu.memory_space<semaphore_mem>> -> memref<1x!tpu.dma_semaphore, #tpu.memory_space<semaphore_mem>>
    %dma_start3A_315 = tpu.memref_squeeze %dma_start3A_314 : memref<1x!tpu.dma_semaphore, #tpu.memory_space<semaphore_mem>> -> memref<!tpu.dma_semaphore, #tpu.memory_space<semaphore_mem>>
    %dma_start3A_316 = arith.constant 0 : i32
    %dma_start3A_317 = arith.constant 0 : i32
    %dma_start3A_318 = tpu.memref_slice %arg3[%dma_start3A_316, %dma_start3A_317] : memref<10000x128xf32, #tpu.memory_space<vmem>> -> memref<10000x128xf32, #tpu.memory_space<vmem>>
    %dma_start3A_319 = arith.constant 90000 : i32
    %dma_start3A_320 = arith.constant 0 : i32
    %dma_start3A_321 = tpu.memref_slice %arg0[%dma_start3A_319, %dma_start3A_320] : memref<100000x128xf32, #tpu.memory_space<hbm>> -> memref<10000x128xf32, #tpu.memory_space<hbm>>
    tpu.enqueue_dma source(%dma_start3A_321 : memref<10000x128xf32, #tpu.memory_space<hbm>>) target(%dma_start3A_318 : memref<10000x128xf32, #tpu.memory_space<vmem>>) target_semaphore(%dma_start3A_315 : memref<!tpu.dma_semaphore, #tpu.memory_space<semaphore_mem>>)
    %dma_wait3A_322 = arith.constant 1 : i32
    %dma_wait3A_323 = tpu.memref_slice %arg4[%dma_wait3A_322] : memref<4x!tpu.dma_semaphore, #tpu.memory_space<semaphore_mem>> -> memref<1x!tpu.dma_semaphore, #tpu.memory_space<semaphore_mem>>
    %dma_wait3A_324 = tpu.memref_squeeze %dma_wait3A_323 : memref<1x!tpu.dma_semaphore, #tpu.memory_space<semaphore_mem>> -> memref<!tpu.dma_semaphore, #tpu.memory_space<semaphore_mem>>
    %dma_wait3A_325 = arith.constant 0 : i32
    %dma_wait3A_326 = arith.constant 0 : i32
    %dma_wait3A_327 = tpu.memref_slice %arg3[%dma_wait3A_325, %dma_wait3A_326] : memref<10000x128xf32, #tpu.memory_space<vmem>> -> memref<10000x128xf32, #tpu.memory_space<vmem>>
    %dma_wait3A_328 = arith.constant 90000 : i32
    %dma_wait3A_329 = arith.constant 0 : i32
    %dma_wait3A_330 = tpu.memref_slice %arg0[%dma_wait3A_328, %dma_wait3A_329] : memref<100000x128xf32, #tpu.memory_space<hbm>> -> memref<10000x128xf32, #tpu.memory_space<hbm>>
    tpu.wait_dma2 semaphore(%dma_wait3A_324 : memref<!tpu.dma_semaphore, #tpu.memory_space<semaphore_mem>>) src(%dma_wait3A_330 : memref<10000x128xf32, #tpu.memory_space<hbm>>) dst(%dma_wait3A_327 : memref<10000x128xf32, #tpu.memory_space<vmem>>)
    %dma_start3A_331 = arith.constant 3 : i32
    %dma_start3A_332 = tpu.memref_slice %arg4[%dma_start3A_331] : memref<4x!tpu.dma_semaphore, #tpu.memory_space<semaphore_mem>> -> memref<1x!tpu.dma_semaphore, #tpu.memory_space<semaphore_mem>>
    %dma_start3A_333 = tpu.memref_squeeze %dma_start3A_332 : memref<1x!tpu.dma_semaphore, #tpu.memory_space<semaphore_mem>> -> memref<!tpu.dma_semaphore, #tpu.memory_space<semaphore_mem>>
    %dma_start3A_334 = arith.constant 90000 : i32
    %dma_start3A_335 = arith.constant 0 : i32
    %dma_start3A_336 = tpu.memref_slice %arg1[%dma_start3A_334, %dma_start3A_335] : memref<100000x128xf32, #tpu.memory_space<hbm>> -> memref<10000x128xf32, #tpu.memory_space<hbm>>
    %dma_start3A_337 = arith.constant 0 : i32
    %dma_start3A_338 = arith.constant 0 : i32
    %dma_start3A_339 = tpu.memref_slice %arg3[%dma_start3A_337, %dma_start3A_338] : memref<10000x128xf32, #tpu.memory_space<vmem>> -> memref<10000x128xf32, #tpu.memory_space<vmem>>
    tpu.enqueue_dma source(%dma_start3A_339 : memref<10000x128xf32, #tpu.memory_space<vmem>>) target(%dma_start3A_336 : memref<10000x128xf32, #tpu.memory_space<hbm>>) target_semaphore(%dma_start3A_333 : memref<!tpu.dma_semaphore, #tpu.memory_space<semaphore_mem>>)
    %dma_wait3A_340 = arith.constant 2 : i32
    %dma_wait3A_341 = tpu.memref_slice %arg4[%dma_wait3A_340] : memref<4x!tpu.dma_semaphore, #tpu.memory_space<semaphore_mem>> -> memref<1x!tpu.dma_semaphore, #tpu.memory_space<semaphore_mem>>
    %dma_wait3A_342 = tpu.memref_squeeze %dma_wait3A_341 : memref<1x!tpu.dma_semaphore, #tpu.memory_space<semaphore_mem>> -> memref<!tpu.dma_semaphore, #tpu.memory_space<semaphore_mem>>
    %dma_wait3A_343 = arith.constant 80000 : i32
    %dma_wait3A_344 = arith.constant 0 : i32
    %dma_wait3A_345 = tpu.memref_slice %arg1[%dma_wait3A_343, %dma_wait3A_344] : memref<100000x128xf32, #tpu.memory_space<hbm>> -> memref<10000x128xf32, #tpu.memory_space<hbm>>
    %dma_wait3A_346 = arith.constant 0 : i32
    %dma_wait3A_347 = arith.constant 0 : i32
    %dma_wait3A_348 = tpu.memref_slice %arg2[%dma_wait3A_346, %dma_wait3A_347] : memref<10000x128xf32, #tpu.memory_space<vmem>> -> memref<10000x128xf32, #tpu.memory_space<vmem>>
    tpu.wait_dma2 semaphore(%dma_wait3A_342 : memref<!tpu.dma_semaphore, #tpu.memory_space<semaphore_mem>>) src(%dma_wait3A_348 : memref<10000x128xf32, #tpu.memory_space<vmem>>) dst(%dma_wait3A_345 : memref<10000x128xf32, #tpu.memory_space<hbm>>)
    %dma_wait3A_349 = arith.constant 3 : i32
    %dma_wait3A_350 = tpu.memref_slice %arg4[%dma_wait3A_349] : memref<4x!tpu.dma_semaphore, #tpu.memory_space<semaphore_mem>> -> memref<1x!tpu.dma_semaphore, #tpu.memory_space<semaphore_mem>>
    %dma_wait3A_351 = tpu.memref_squeeze %dma_wait3A_350 : memref<1x!tpu.dma_semaphore, #tpu.memory_space<semaphore_mem>> -> memref<!tpu.dma_semaphore, #tpu.memory_space<semaphore_mem>>
    %dma_wait3A_352 = arith.constant 90000 : i32
    %dma_wait3A_353 = arith.constant 0 : i32
    %dma_wait3A_354 = tpu.memref_slice %arg1[%dma_wait3A_352, %dma_wait3A_353] : memref<100000x128xf32, #tpu.memory_space<hbm>> -> memref<10000x128xf32, #tpu.memory_space<hbm>>
    %dma_wait3A_355 = arith.constant 0 : i32
    %dma_wait3A_356 = arith.constant 0 : i32
    %dma_wait3A_357 = tpu.memref_slice %arg3[%dma_wait3A_355, %dma_wait3A_356] : memref<10000x128xf32, #tpu.memory_space<vmem>> -> memref<10000x128xf32, #tpu.memory_space<vmem>>
    tpu.wait_dma2 semaphore(%dma_wait3A_351 : memref<!tpu.dma_semaphore, #tpu.memory_space<semaphore_mem>>) src(%dma_wait3A_357 : memref<10000x128xf32, #tpu.memory_space<vmem>>) dst(%dma_wait3A_354 : memref<10000x128xf32, #tpu.memory_space<hbm>>)
    return
  }
}

</mosaic_0001>

<sc_bundles>
// kernel: sc_gather_rows.3.cloned.1.call-start
scs
__scs_entry_jumppad:
0x0: {  	(pc) =	sbr.rel $0x88, $3  }
0x1: {  	(tag) =	ssettag $0x0;
	lr =	simm.s32 $0x1  }
0x2: {  	[smem:$0x3F9A] =	sst lr;
	_ =	strace $0xD0000000  }
0x3: {  	_ = 	snop  }
0x4: {  	_ = 	snop  }
0x5: {  	_ = 	snop  }
0x6: {  	_ = 	snop  }
0x7: {  	_ = 	snop  }
__scs_overlays_trampoline_lowered:
0x8: {  	[smem:$0x3FA9] =	sst s0  }
0x9: {  	[smem:$0x3FAA] =	sst s1  }
0xa: {  	[smem:$0x3FAB] =	sst s2  }
0xb: {  	[smem:$0x3FAC] =	sst s3  }
0xc: {  	[smem:$0x3FAD] =	sst s4  }
0xd: {  	[smem:$0x3FAE] =	sst s5  }
0xe: {  	[smem:$0x3FAF] =	sst s6  }
0xf: {  	[smem:$0x3FB0] =	sst s7  }
0x10: {  	[smem:$0x3FB1] =	sst s8  }
0x11: {  	[smem:$0x3FB2] =	sst s9;
	s0 =	simm.s32 @!p0 $0x0  }
0x12: {  	s1 =	sld [smem:$0x3F98];
	s0 =	simm.s32 @p0 $0x1  }
0x13: {  	[smem:$0x3FB3] =	sst s0;
	s0 =	simm.s32 @!p1 $0x0  }
0x14: {  	s2 =	sld [smem:$0x3F97];
	s0 =	simm.s32 @p1 $0x1  }
0x15: {  	[smem:$0x3FB4] =	sst s0;
	s0 =	simm.s32 @!p2 $0x0  }
0x16: {  	s3 =	sld [smem:$0x3FDB];
	s0 =	simm.s32 @p2 $0x1  }
0x17: {  	s4 =	simm.s32 $0x1BF5;
	[smem:$0x3FB6] =	sst s0  }
0x18: {  	s0 =	sld [smem:$0x3F99];
	_ =	swait.ge [sflag:s4], $0x0  }
0x19: {  	s7 =	sld [smem:$0x3F9A]  }
0x1a: {  	s8 =	sadd.s32 $0xFFFFE003, lr  }
0x1b: {  	s9 =	sadd.s32 $0xFFFFFEF7, lr;
	s5 =	simm.s32 $0xFFFFFFFF;
	p2 =	slt.u32 s8, $0xFFFFF086  }
0x1c: {  	p1 =	slt.u32 s9, $0xF7A;
	s5 =	simm.s32 @!p2 $0x0  }
0x1d: {  	s5 =	simm.s32 @p1 $0x1;
	p0 =	seq.s32 s7, s2  }
0x1e: {  	s7 =	smul.u32 @!p0 $0xF7A, s2;
	p2 =	seq.s32 @!p0 s5, $0x0  }
0x1f: {  	s9 =	smul.u32 $0xF7A, s1;
	s8 =	simm.s32 @!p0 $0x1BF5;
	p2 =	por !p2, p0  }
0x20: {  	[sflag:s8] =	ssyncset.s32 @!p0 $0xFFFFF086;
	s6 =	sadd.s32 @!p0 s3, s7;
	s7 =	simm.s32 @!p0 $0x108  }
0x21: {  	s3 =	sadd.s32 s3, s9;
	s6 =	sadd.s32 @!p0 $0x88, s6;
	s7 =	simm.s32 @p2 $0x1082  }
0x22: {  	[simem:s7], [sflag:s8] =	dma.local @!p0 [hbm:s6], $0xF7A  }
0x23: {  	s9 =	sor.u32 $0xD0000000, s2;
	s6 =	simm.s32 $0x108;
	_ =	swait.ge @!p0 [sflag:s8], $0x0  }
0x24: {  	s3 =	sadd.s32 $0x88, s3;
	s6 =	simm.s32 @!p1 $0x1082;
	[sflag:s4] =	ssyncset.s32 $0xFFFFF086  }
0x25: {  	[simem:s6], [sflag:s4] =	dma.local [hbm:s3], $0xF7A  }
0x26: {  	[smem:$0x3F9A] =	sst s1;
	(tag) =	ssettag s2;
	_ =	strace s9  }
0x27: {  	s1 =	sld [smem:$0x3FAA]  }
0x28: {  	s2 =	sld [smem:$0x3FAB]  }
0x29: {  	s4 =	sld [smem:$0x3FAD]  }
0x2a: {  	p0 =	seq.s32 s5, $0x0;
	s5 =	sld [smem:$0x3FAE]  }
0x2b: {  	s6 =	sld [smem:$0x3FAF]  }
0x2c: {  	s7 =	sld [smem:$0x3FB0]  }
0x2d: {  	s3 =	simm.s32 $0x108;
	s8 =	sld [smem:$0x3FB1]  }
0x2e: {  	s3 =	simm.s32 @!p0 $0x1082;
	s9 =	sld [smem:$0x3FB2]  }
0x2f: {  	lr =	sadd.s32 s0, s3;
	s0 =	sld [smem:$0x3FA9]  }
0x30: {  	s3 =	sld [smem:$0x3FAC]  }
0x31: {  	[smem:$0x3FB5] =	sst s10  }
0x32: {  	s10 =	sld [smem:$0x3FB3];
	_ =	sdelay $0x3  }
0x33: {  	p0 =	seq.s32 s10, $0x1;
	s10 =	sld [smem:$0x3FB5];
	_ =	sdelay $0x3  }
0x34: {  	[smem:$0x3FB5] =	sst s10  }
0x35: {  	s10 =	sld [smem:$0x3FB4];
	_ =	sdelay $0x3  }
0x36: {  	p1 =	seq.s32 s10, $0x1;
	s10 =	sld [smem:$0x3FB5];
	_ =	sdelay $0x3  }
0x37: {  	[smem:$0x3FB5] =	sst s10  }
0x38: {  	s10 =	sld [smem:$0x3FB6]  }
0x39: {  	_ = 	snop;
	(pc) =	sbr.ind lr, $3  }
0x3a: {  	_ = 	snop  }
0x3b: {  	_ = 	snop  }
0x3c: {  	p2 =	seq.s32 s10, $0x1;
	s10 =	sld [smem:$0x3FB5]  }
0x3d: {  	_ =	shalt  }
0x3e: {  	_ =	shalt  }
0x3f: {  	_ =	shalt  }
0x40: {  	_ =	shalt  }
0x41: {  	_ =	shalt  }
0x42: {  	_ =	shalt  }
0x43: {  	_ =	shalt  }
0x44: {  	_ =	shalt  }
0x45: {  	_ =	shalt  }
0x46: {  	_ =	shalt  }
0x47: {  	_ =	shalt  }
0x48: {  	_ =	shalt  }
0x49: {  	_ =	shalt  }
0x4a: {  	_ =	shalt  }
0x4b: {  	_ =	shalt  }
0x4c: {  	_ =	shalt  }
0x4d: {  	_ =	shalt  }
0x4e: {  	_ =	shalt  }
0x4f: {  	_ =	shalt  }
0x50: {  	_ =	shalt  }
0x51: {  	_ =	shalt  }
0x52: {  	_ =	shalt  }
0x53: {  	_ =	shalt  }
0x54: {  	_ =	shalt  }
0x55: {  	_ =	shalt  }
0x56: {  	_ =	shalt  }
0x57: {  	_ =	shalt  }
0x58: {  	_ =	shalt  }
0x59: {  	_ =	shalt  }
0x5a: {  	_ =	shalt  }
0x5b: {  	_ =	shalt  }
0x5c: {  	_ =	shalt  }
0x5d: {  	_ =	shalt  }
0x5e: {  	_ =	shalt  }
0x5f: {  	_ =	shalt  }
0x60: {  	_ =	shalt  }
0x61: {  	_ =	shalt  }
0x62: {  	_ =	shalt  }
0x63: {  	_ =	shalt  }
0x64: {  	_ =	shalt  }
0x65: {  	_ =	shalt  }
0x66: {  	_ =	shalt  }
0x67: {  	_ =	shalt  }
0x68: {  	_ =	shalt  }
0x69: {  	_ =	shalt  }
0x6a: {  	_ =	shalt  }
0x6b: {  	_ =	shalt  }
0x6c: {  	_ =	shalt  }
0x6d: {  	_ =	shalt  }
0x6e: {  	_ =	shalt  }
0x6f: {  	_ =	shalt  }
0x70: {  	_ =	shalt  }
0x71: {  	_ =	shalt  }
0x72: {  	_ =	shalt  }
0x73: {  	_ =	shalt  }
0x74: {  	_ =	shalt  }
0x75: {  	_ =	shalt  }
0x76: {  	_ =	shalt  }
0x77: {  	_ =	shalt  }
0x78: {  	_ =	shalt  }
0x79: {  	_ =	shalt  }
0x7a: {  	_ =	shalt  }
0x7b: {  	_ =	shalt  }
0x7c: {  	_ =	shalt  }
0x7d: {  	_ =	shalt  }
0x7e: {  	_ =	shalt  }
0x7f: {  	_ =	shalt  }
0x80: {  	_ =	shalt  }
0x81: {  	_ =	shalt  }
0x82: {  	_ =	shalt  }
0x83: {  	_ =	shalt  }
0x84: {  	_ =	shalt  }
0x85: {  	_ =	shalt  }
0x86: {  	_ =	shalt  }
0x87: {  	_ =	shalt  }
.Lfunc_end0:
.L_simem_size_0:
called_computation_lowered:
.L_overlay_start_0:
0x88: {  	s2 =	sld [smem:$0x3FD9]  }
0x89: {  	s3 =	sld [smem:$0x3FFE];
	_ =	sdelay $0x1  }
0x8a: {  	s1 =	srdreg.scid  }
0x8b: {  	s0 =	sand.u32 $0x1, s1  }
0x8c: {  	s17 =	sshll.u32 s0, $0xA;
	s2 =	sadd.s32 s3, s2  }
0x8d: {  	s2 =	sadd.s32 s2, s17  }
0x8e: {  	[smem:$0x3FC1] =	sst s2  }
0x8f: {  	_ = 	snop  }
0x90: {  	s2 =	sld [smem:$0x3FC9]  }
0x91: {  	s18 =	sld [smem:$0x3FC8];
	(tm) =	ssettm $0x1  }
0x92: {  	s4 =	sld [smem:$0x3FFB];
	_ =	sdelay $0x3  }
0x93: {  	_ =	strace s4  }
0x94: {  	s4 =	sld [smem:$0x3FFC];
	_ =	sdelay $0x3  }
0x95: {  	_ =	strace s4  }
0x96: {  	s4 =	sld [smem:$0x3FFD];
	_ =	sdelay $0x3  }
0x97: {  	_ =	strace s4  }
0x98: {  	_ =	strace $0x8FFFFFFF  }
0x99: {  	s19 =	sld [smem:$0x3FDB];
	_ =	sdelay $0x1  }
0x9a: {  	s5 =	simm.s32 $_scs_section_size  }
0x9b: {  	s6 =	simm.s32 $_size__tile_overlayer_lowered;
	s7 =	simm.s32 $_tile_overlayer_lowered  }
0x9c: {  	s22 =	simm.s32 $0x1BFF;
	s21 =	sshll.u32 s7, $0x1;
	s4 =	sadd.s32 s5, s19  }
0x9d: {  	s8 =	simm.s32 $0x0;
	s20 =	sshll.u32 s6, $0x1;
	s6 =	sadd.s32 s21, s4  }
0x9e: {  	[timem:s8], [sflag:s22] =	dma.local [hbm:s6], s20  }
0x9f: {  	_ =	swait.ge [sflag:s22], s20  }
0xa0: {  	s5 =	ssub.s32 $0x0, s20;
	[sflag:s22] =	ssyncset.done $0x0  }
0xa1: {  	[sflag:s22] =	ssyncadd.s32 s5;
	_ =	sdelay $0x1  }
0xa2: {  	s23 =	simm.s32 $0x1B8B  }
0xa3: {  	_ =	swait.ge [sflag:s23], $0x1  }
0xa4: {  	[sflag:s23] =	ssyncset.done $0x0  }
0xa5: {  	s25 =	simm.s32 $0x1B8E;
	s24 =	sld [smem:$0x3FFE];
	[sflag:s23] =	ssyncadd.s32 $0xFFFFFFFF  }
0xa6: {  	s26 =	simm.s32 $execute0_lowered;
	[smem:$0x3FD2] =	sst s25  }
0xa7: {  	s6 =	sshll.u32 s26, $0x1;
	_ =	strace $0x80000046;
	[dreg:$0x1] =	wrdreg $0xFFFFFFFF  }
0xa8: {  	s28 =	simm.s32 $_size_execute0_lowered;
	s4 =	sadd.s32 s4, s6;
	[dreg:$0x0] =	wrdreg $0x0  }
0xa9: {  	s6 =	sshll.u32 s28, $0x1;
	[dreg:$0x2] =	wrdreg s4  }
0xaa: {  	[dreg:$0x3] =	wrdreg s6  }
0xab: {  	[dreg:$0x4] =	wrdreg $0xC0  }
0xac: {  	_ =	task [dreg:s8], $0x5FFFF  }
0xad: {  	[dreg:$0x1] =	wrdreg $0xFFFFFFFF  }
0xae: {  	[dreg:$0x0] =	wrdreg $0x60  }
0xaf: {  	[dreg:$0x2] =	wrdreg s2  }
0xb0: {  	[dreg:$0x3] =	wrdreg s18  }
0xb1: {  	[dreg:$0x4] =	wrdreg s24  }
0xb2: {  	[dreg:$0x5] =	wrdreg $0x9  }
0xb3: {  	_ =	task.clear_ibuf [dreg:s8], $0x6FFFF;
	_ =	strace $0x90000046  }
0xb4: {  	s29 =	simm.s32 $0x9;
	_ =	strace $0x80000048  }
0xb5: {  	_ =	swait.ge [sflag:s29], $0x1  }
0xb6: {  	[sflag:s29] =	ssyncadd.s32 $0xFFFFFFFF  }
0xb7: {  	_ =	strace $0x90000048  }
0xb8: {  	_ =	sfence  }
0xb9: {  	s30 =	sld [smem:$0x0];
	_ =	sdelay $0x2  }
0xba: {  	s31 =	sshll.u32 s1, $0xD;
	s1 =	sshrl.u32 s1, $0x2  }
0xbb: {  	s3 =	sand.u32 $0x4000, s31;
	s1 =	sadd.s32 s1, s30  }
0xbc: {  	s0 =	sor.u32 s3, s0;
	s1 =	sshll.u32 s1, $0x11  }
0xbd: {  	s0 =	sor.u32 s1, s0  }
0xbe: {  	s0 =	sadd.s32 $0x8F2B, s0  }
0xbf: {  	[sflag:s0] =	ssyncadd.remote.s32 $0x1  }
0xc0: {  	_ =	sfence.sel $0xFFFF  }
0xc1: {  	[dreg:$0x0] =	wrdreg $0xFFFFFFFF;
	(pc) =	sbr.abs _section_cstart, $3  }
0xc2: {  	[dreg:$0x1] =	wrdreg $0xFFFFFFFF  }
0xc3: {  	_ =	task.clear_ibuf [dreg:s8], $0x2FFFF;
	_ =	strace $0x9FFFFFFF  }
0xc4: {  	(tm) =	ssettm $0x7FFFFFFF  }
0xc5: {  	_ =	shalt  }
tec
execute0_lowered:
.L_overlay_start_1:
0x0: {  	(tag) =	ssettag $0x1  }
0x1: {  	s1 =	rddreg [dreg:$0x0]  }
0x2: {  	s3 =	rddreg [dreg:$0x1];
	s2 =	srdreg.scid  }
0x3: {  	s0 =	stileid.u32;
	s5 =	rddreg [dreg:$0x2];
	s4 =	simm.s32 $0x0  }
0x4: {  	v0 =	vimm.s32 $0xFFEDCBA9;
	v1 =	vimm.s32 $0x87654321;
	s12 =	simm.s32 $0x14000;
	s6 =	sand.u32 $0x1, s2;
	s7 =	sshll.u32 s0, $0x1  }
0x5: {  	s13 =	simm.s32 $0x1;
	s2 =	rddreg [dreg:$0x3];
	v0 =	vunpack.c.l.s4.s8 v0;
	v1 =	vunpack.c.l.s4.s8 v1;
	s7 =	sor.u32 s6, s7  }
0x6: {  	s14 =	simm.s32 $0x0;
	[smem:$0x7FF] =	sst s4;
	s9 =	smul.u32 $0xC38, s7  }
0x7: {  	_ =	strace $0x80000047;
	s6 =	ssub.s32 $0x2, s6;
	s8 =	sshll.u32 s7, $0xD;
	v0 =	vunpack.c.0.s8.s32 v0;
	v1 =	vunpack.c.0.s8.s32 v1  }
0x8: {  	s11 =	sshrl.u32 s6, $0x1;
	s8 =	sadd.s32 s8, s5;
	s10 =	sshrl.u32 s9, $0x3  }
0x9: {  	s11 =	ssub.s32 s6, s11;
	v2 =	vcombine.low v1, v0;
	v0 =	vmov s9;
	s9 =	simm.s32 $0x2;
	s10 =	sadd.s32 s10, s5  }
0xa: {  	s5 =	sshll.u32 s7, $0x9;
	s7 =	sadd.s32 $0x1800, s8;
	s8 =	smax.u32 s11, $0x1  }
0xb: {  	vm0 =	vcmask $0x3F3C;
	v1 =	vlaneseq.u32;
	s11 =	simm.s32 $0x4000;
	s6 =	sadd.s32 $0x41800, s10;
	s10 =	simm.s32 $0x200;
	v2 =	vand.u32 $0xF, v2  }
.LBB2_1:
0xc: {  	[tilespmem:s4], [sflag:$0x2] =	stream.linear.gather [hbm4b:s3+s4], $0x4000, $0x38;
	[tilespmem:$0x14C80] =	vst v63  }
0xd: {  	_ =	swait.ge [sflag:s9], $0x4000  }
0xe: {  	[sflag:s9] =	ssyncset.done $0x0  }
0xf: {  	s15 =	simm.s32 $0x20;
	s16 =	simm.s32 $0x0;
	[sflag:s9] =	ssyncadd.s32 $0xFFFFC000  }
0x10: {  	[tilespmem:s11], [sflag:$0x1] =	stream.indirect.gather [hbm4b:s1+s10], $0x80, s5, s10, $0xb8;
	[tilespmem:$0x14C80] =	vst v63  }
.LBB2_2:
0x11: {  	v3 =	vld [tilespmem:s15+$0xFFFFFFE0];
	_ =	sdelay $0x4  }
0x12: {  	v3 =	vshll.u32 v3, $0xE  }
0x13: {  	v3 =	vadd.s32 s16, v3  }
0x14: {  	v3 =	vadd.s32 v1, v3  }
0x15: {  	(xrf1) =	vsort.ascd.msk.u32 $0xffff, v3, v3;
	_ =	sdelay $0xd  }
0x16: {  	v3, _, _ =	vpop (xrf1)  }
0x17: {  	v4 =	vshra.s32 v3, $0xE  }
0x18: {  	v5 =	vperm.xlane v4, v2;
	_ =	sdelay $0x1  }
0x19: {  	vm1 =	vne.s32 v4, v5;
	v4 =	vsub.s32 v4, v0  }
0x1a: {  	vm1 =	vmor vm1, vm0;
	vm2 =	vlt.u32 v4, $0xC38  }
0x1b: {  	vm1 =	vmand vm1, vm2;
	_ =	sdelay $0x4  }
0x1c: {  	v3 =	vand.u32 $0x3FFF, v3  }
0x1d: {  	[tilespmem:v4+s12+$0x0] =	vst.idx.msk vm1, v3  }
0x1e: {  	v3 =	vld [tilespmem:s15+$0xFFFFFFF0];
	_ =	sdelay $0x4  }
0x1f: {  	s17 =	sadd.s32 $0x10, s16;
	v3 =	vshll.u32 v3, $0xE  }
0x20: {  	v3 =	vadd.s32 s17, v3  }
0x21: {  	v3 =	vadd.s32 v1, v3  }
0x22: {  	(xrf1) =	vsort.ascd.msk.u32 $0xffff, v3, v3;
	_ =	sdelay $0xd  }
0x23: {  	v3, _, _ =	vpop (xrf1)  }
0x24: {  	v58 =	vshra.s32 v3, $0xE  }
0x25: {  	v59 =	vperm.xlane v58, v2;
	_ =	sdelay $0x1  }
0x26: {  	v4 =	vsub.s32 v58, v0;
	vm1 =	vne.s32 v58, v59  }
0x27: {  	vm2 =	vlt.u32 v4, $0xC38;
	vm1 =	vmor vm1, vm0  }
0x28: {  	vm1 =	vmand vm1, vm2;
	_ =	sdelay $0x4  }
0x29: {  	v3 =	vand.u32 $0x3FFF, v3  }
0x2a: {  	[tilespmem:v4+s12+$0x0] =	vst.idx.msk vm1, v3  }
0x2b: {  	v3 =	vld [tilespmem:s15+$0x0];
	_ =	sdelay $0x4  }
0x2c: {  	s30 =	sadd.s32 $0x20, s16;
	v3 =	vshll.u32 v3, $0xE  }
0x2d: {  	v3 =	vadd.s32 s30, v3  }
0x2e: {  	v3 =	vadd.s32 v1, v3  }
0x2f: {  	(xrf1) =	vsort.ascd.msk.u32 $0xffff, v3, v3;
	_ =	sdelay $0xd  }
0x30: {  	v3, _, _ =	vpop (xrf1)  }
0x31: {  	v60 =	vshra.s32 v3, $0xE  }
0x32: {  	v61 =	vperm.xlane v60, v2;
	_ =	sdelay $0x1  }
0x33: {  	v4 =	vsub.s32 v60, v0;
	vm1 =	vne.s32 v60, v61  }
0x34: {  	vm2 =	vlt.u32 v4, $0xC38;
	vm1 =	vmor vm1, vm0  }
0x35: {  	vm1 =	vmand vm1, vm2;
	_ =	sdelay $0x4  }
0x36: {  	v3 =	vand.u32 $0x3FFF, v3  }
0x37: {  	[tilespmem:v4+s12+$0x0] =	vst.idx.msk vm1, v3  }
0x38: {  	v3 =	vld [tilespmem:s15+$0x10];
	_ =	sdelay $0x4  }
0x39: {  	s31 =	sadd.s32 $0x30, s16;
	v3 =	vshll.u32 v3, $0xE  }
0x3a: {  	v3 =	vadd.s32 s31, v3  }
0x3b: {  	v3 =	vadd.s32 v1, v3  }
0x3c: {  	(xrf1) =	vsort.ascd.msk.u32 $0xffff, v3, v3;
	_ =	sdelay $0xd  }
0x3d: {  	v3, _, _ =	vpop (xrf1)  }
0x3e: {  	v62 =	vshra.s32 v3, $0xE  }
0x3f: {  	v63 =	vperm.xlane v62, v2;
	_ =	sdelay $0x1  }
0x40: {  	v4 =	vsub.s32 v62, v0;
	vm1 =	vne.s32 v62, v63  }
0x41: {  	vm2 =	vlt.u32 v4, $0xC38;
	vm1 =	vmor vm1, vm0  }
0x42: {  	vm1 =	vmand vm1, vm2  }
0x43: {  	p0 =	sne.s32 s16, $0x3FC0  }
.Ltmp0:
0x44: {  	_ = 	snop;
	(pc) =	sbr.rel @p0 .LBB2_2-.Ltmp0, $3  }
0x45: {  	_ =	sdelay $0x1  }
0x46: {  	v3 =	vand.u32 $0x3FFF, v3  }
0x47: {  	s16 =	sadd.s32 $0x40, s16;
	s15 =	sadd.s32 $0x40, s15;
	[tilespmem:v4+s12+$0x0] =	vst.idx.msk vm1, v3  }
0x48: {  	[hbm4b:s6+s4] =	stream.linear.scatter [tilespmem:s12], [sflag:$0x2], $0xC38, $0x38;
	[tilespmem:$0x14C80] =	vst v63  }
0x49: {  	_ =	swait.ge [sflag:s9], $0xC38  }
0x4a: {  	[sflag:s9] =	ssyncset.done $0x0  }
0x4b: {  	[sflag:s9] =	ssyncadd.s32 $0xFFFFF3C8  }
0x4c: {  	s14 =	sadd.s32 $0x1, s14;
	_ =	swait.ge [sflag:s13], $0x10000  }
0x4d: {  	p0 =	sne.s32 s14, s8;
	[sflag:s13] =	ssyncset.done $0x0  }
.Ltmp1:
0x4e: {  	[sflag:s13] =	ssyncadd.s32 $0xFFFF0000;
	(pc) =	sbr.rel @p0 .LBB2_1-.Ltmp1, $4  }
0x4f: {  	[hbm4b:s7+s4] =	stream.linear.scatter [tilespmem:s11], [sflag:$0x2], $0x10000, $0x38;
	[tilespmem:$0x14C80] =	vst v63  }
0x50: {  	_ =	swait.ge [sflag:s9], $0x10000  }
0x51: {  	[sflag:s9] =	ssyncset.done $0x0  }
0x52: {  	[sflag:s9] =	ssyncadd.s32 $0xFFFF0000  }
0x53: {  	_ =	sfence.sel $0x180000  }
0x54: {  	[bflag:$0x0] =	sbarrier.arrive $0xFFFF  }
0x55: {  	p0 =	sne.s32 s0, $0x0;
	_ =	strace $0x90000047  }
0x56: {  	s0 =	sadd.s32 @!p0 $0x100000, s2;
	[bflag:$0x2] =	sbarrier.arrive $0xFFFF  }
0x57: {  	[sflag:s0] =	ssyncadd.tile.s32 @!p0 $0x1;
	_ =	shalt  }
.Lfunc_end2:
_tile_overlayer_lowered:
.L_overlay_start_2:
0x58: {  	(tag) =	ssettag $0x2  }
0x59: {  	s0 =	rddreg [dreg:$0x0];
	s2 =	stileid.u32  }
0x5a: {  	s1 =	rddreg [dreg:$0x1];
	p0 =	sne.s32 s2, $0x0  }
0x5b: {  	s3 =	rddreg [dreg:$0x2];
	[bflag:$0x3] =	sbarrier.arrive $0xFFFF;
	s2 =	simm.s32 @!p0 $0x1C02  }
0x5c: {  	[timem:s3], [sflag:s2] =	dma.local @!p0 [hbm:s0], s1  }
0x5d: {  	s0 =	simm.s32 @!p0 $0x2  }
0x5e: {  	_ =	swait.ge @!p0 [sflag:s0], s1  }
0x5f: {  	s1 =	ssub.s32 @!p0 $0x0, s1;
	[sflag:s0] =	ssyncset.done @!p0 $0x0  }
0x60: {  	[sflag:s0] =	ssyncadd.s32 @!p0 s1  }
0x61: {  	[bflag:$0x3] =	sbarrier.arrive $0xFFFF  }
0x62: {  	_ =	shalt  }

// kernel: sc_scatter_rows.3.cloned.1.call-start
scs
__scs_entry_jumppad:
0x0: {  	(pc) =	sbr.rel $0x88, $3  }
0x1: {  	(tag) =	ssettag $0x0;
	lr =	simm.s32 $0x1  }
0x2: {  	[smem:$0x3F9A] =	sst lr;
	_ =	strace $0xD0000000  }
0x3: {  	_ = 	snop  }
0x4: {  	_ = 	snop  }
0x5: {  	_ = 	snop  }
0x6: {  	_ = 	snop  }
0x7: {  	_ = 	snop  }
__scs_overlays_trampoline_lowered:
0x8: {  	[smem:$0x3FA9] =	sst s0  }
0x9: {  	[smem:$0x3FAA] =	sst s1  }
0xa: {  	[smem:$0x3FAB] =	sst s2  }
0xb: {  	[smem:$0x3FAC] =	sst s3  }
0xc: {  	[smem:$0x3FAD] =	sst s4  }
0xd: {  	[smem:$0x3FAE] =	sst s5  }
0xe: {  	[smem:$0x3FAF] =	sst s6  }
0xf: {  	[smem:$0x3FB0] =	sst s7  }
0x10: {  	[smem:$0x3FB1] =	sst s8  }
0x11: {  	[smem:$0x3FB2] =	sst s9;
	s0 =	simm.s32 @!p0 $0x0  }
0x12: {  	s1 =	sld [smem:$0x3F98];
	s0 =	simm.s32 @p0 $0x1  }
0x13: {  	[smem:$0x3FB3] =	sst s0;
	s0 =	simm.s32 @!p1 $0x0  }
0x14: {  	s2 =	sld [smem:$0x3F97];
	s0 =	simm.s32 @p1 $0x1  }
0x15: {  	[smem:$0x3FB4] =	sst s0;
	s0 =	simm.s32 @!p2 $0x0  }
0x16: {  	s3 =	sld [smem:$0x3FDB];
	s0 =	simm.s32 @p2 $0x1  }
0x17: {  	s4 =	simm.s32 $0x1BF5;
	[smem:$0x3FB6] =	sst s0  }
0x18: {  	s0 =	sld [smem:$0x3F99];
	_ =	swait.ge [sflag:s4], $0x0  }
0x19: {  	s7 =	sld [smem:$0x3F9A]  }
0x1a: {  	s8 =	sadd.s32 $0xFFFFE003, lr  }
0x1b: {  	s9 =	sadd.s32 $0xFFFFFEF7, lr;
	s5 =	simm.s32 $0xFFFFFFFF;
	p2 =	slt.u32 s8, $0xFFFFF086  }
0x1c: {  	p1 =	slt.u32 s9, $0xF7A;
	s5 =	simm.s32 @!p2 $0x0  }
0x1d: {  	s5 =	simm.s32 @p1 $0x1;
	p0 =	seq.s32 s7, s2  }
0x1e: {  	s7 =	smul.u32 @!p0 $0xF7A, s2;
	p2 =	seq.s32 @!p0 s5, $0x0  }
0x1f: {  	s9 =	smul.u32 $0xF7A, s1;
	s8 =	simm.s32 @!p0 $0x1BF5;
	p2 =	por !p2, p0  }
0x20: {  	[sflag:s8] =	ssyncset.s32 @!p0 $0xFFFFF086;
	s6 =	sadd.s32 @!p0 s3, s7;
	s7 =	simm.s32 @!p0 $0x108  }
0x21: {  	s3 =	sadd.s32 s3, s9;
	s6 =	sadd.s32 @!p0 $0x88, s6;
	s7 =	simm.s32 @p2 $0x1082  }
0x22: {  	[simem:s7], [sflag:s8] =	dma.local @!p0 [hbm:s6], $0xF7A  }
0x23: {  	s9 =	sor.u32 $0xD0000000, s2;
	s6 =	simm.s32 $0x108;
	_ =	swait.ge @!p0 [sflag:s8], $0x0  }
0x24: {  	s3 =	sadd.s32 $0x88, s3;
	s6 =	simm.s32 @!p1 $0x1082;
	[sflag:s4] =	ssyncset.s32 $0xFFFFF086  }
0x25: {  	[simem:s6], [sflag:s4] =	dma.local [hbm:s3], $0xF7A  }
0x26: {  	[smem:$0x3F9A] =	sst s1;
	(tag) =	ssettag s2;
	_ =	strace s9  }
0x27: {  	s1 =	sld [smem:$0x3FAA]  }
0x28: {  	s2 =	sld [smem:$0x3FAB]  }
0x29: {  	s4 =	sld [smem:$0x3FAD]  }
0x2a: {  	p0 =	seq.s32 s5, $0x0;
	s5 =	sld [smem:$0x3FAE]  }
0x2b: {  	s6 =	sld [smem:$0x3FAF]  }
0x2c: {  	s7 =	sld [smem:$0x3FB0]  }
0x2d: {  	s3 =	simm.s32 $0x108;
	s8 =	sld [smem:$0x3FB1]  }
0x2e: {  	s3 =	simm.s32 @!p0 $0x1082;
	s9 =	sld [smem:$0x3FB2]  }
0x2f: {  	lr =	sadd.s32 s0, s3;
	s0 =	sld [smem:$0x3FA9]  }
0x30: {  	s3 =	sld [smem:$0x3FAC]  }
0x31: {  	[smem:$0x3FB5] =	sst s10  }
0x32: {  	s10 =	sld [smem:$0x3FB3];
	_ =	sdelay $0x3  }
0x33: {  	p0 =	seq.s32 s10, $0x1;
	s10 =	sld [smem:$0x3FB5];
	_ =	sdelay $0x3  }
0x34: {  	[smem:$0x3FB5] =	sst s10  }
0x35: {  	s10 =	sld [smem:$0x3FB4];
	_ =	sdelay $0x3  }
0x36: {  	p1 =	seq.s32 s10, $0x1;
	s10 =	sld [smem:$0x3FB5];
	_ =	sdelay $0x3  }
0x37: {  	[smem:$0x3FB5] =	sst s10  }
0x38: {  	s10 =	sld [smem:$0x3FB6]  }
0x39: {  	_ = 	snop;
	(pc) =	sbr.ind lr, $3  }
0x3a: {  	_ = 	snop  }
0x3b: {  	_ = 	snop  }
0x3c: {  	p2 =	seq.s32 s10, $0x1;
	s10 =	sld [smem:$0x3FB5]  }
0x3d: {  	_ =	shalt  }
0x3e: {  	_ =	shalt  }
0x3f: {  	_ =	shalt  }
0x40: {  	_ =	shalt  }
0x41: {  	_ =	shalt  }
0x42: {  	_ =	shalt  }
0x43: {  	_ =	shalt  }
0x44: {  	_ =	shalt  }
0x45: {  	_ =	shalt  }
0x46: {  	_ =	shalt  }
0x47: {  	_ =	shalt  }
0x48: {  	_ =	shalt  }
0x49: {  	_ =	shalt  }
0x4a: {  	_ =	shalt  }
0x4b: {  	_ =	shalt  }
0x4c: {  	_ =	shalt  }
0x4d: {  	_ =	shalt  }
0x4e: {  	_ =	shalt  }
0x4f: {  	_ =	shalt  }
0x50: {  	_ =	shalt  }
0x51: {  	_ =	shalt  }
0x52: {  	_ =	shalt  }
0x53: {  	_ =	shalt  }
0x54: {  	_ =	shalt  }
0x55: {  	_ =	shalt  }
0x56: {  	_ =	shalt  }
0x57: {  	_ =	shalt  }
0x58: {  	_ =	shalt  }
0x59: {  	_ =	shalt  }
0x5a: {  	_ =	shalt  }
0x5b: {  	_ =	shalt  }
0x5c: {  	_ =	shalt  }
0x5d: {  	_ =	shalt  }
0x5e: {  	_ =	shalt  }
0x5f: {  	_ =	shalt  }
0x60: {  	_ =	shalt  }
0x61: {  	_ =	shalt  }
0x62: {  	_ =	shalt  }
0x63: {  	_ =	shalt  }
0x64: {  	_ =	shalt  }
0x65: {  	_ =	shalt  }
0x66: {  	_ =	shalt  }
0x67: {  	_ =	shalt  }
0x68: {  	_ =	shalt  }
0x69: {  	_ =	shalt  }
0x6a: {  	_ =	shalt  }
0x6b: {  	_ =	shalt  }
0x6c: {  	_ =	shalt  }
0x6d: {  	_ =	shalt  }
0x6e: {  	_ =	shalt  }
0x6f: {  	_ =	shalt  }
0x70: {  	_ =	shalt  }
0x71: {  	_ =	shalt  }
0x72: {  	_ =	shalt  }
0x73: {  	_ =	shalt  }
0x74: {  	_ =	shalt  }
0x75: {  	_ =	shalt  }
0x76: {  	_ =	shalt  }
0x77: {  	_ =	shalt  }
0x78: {  	_ =	shalt  }
0x79: {  	_ =	shalt  }
0x7a: {  	_ =	shalt  }
0x7b: {  	_ =	shalt  }
0x7c: {  	_ =	shalt  }
0x7d: {  	_ =	shalt  }
0x7e: {  	_ =	shalt  }
0x7f: {  	_ =	shalt  }
0x80: {  	_ =	shalt  }
0x81: {  	_ =	shalt  }
0x82: {  	_ =	shalt  }
0x83: {  	_ =	shalt  }
0x84: {  	_ =	shalt  }
0x85: {  	_ =	shalt  }
0x86: {  	_ =	shalt  }
0x87: {  	_ =	shalt  }
.Lfunc_end0:
.L_simem_size_0:
called_computation.1_lowered:
.L_overlay_start_0:
0x88: {  	s2 =	sld [smem:$0x3FD9]  }
0x89: {  	s3 =	sld [smem:$0x3FFE];
	_ =	sdelay $0x1  }
0x8a: {  	s1 =	srdreg.scid  }
0x8b: {  	s0 =	sand.u32 $0x1, s1  }
0x8c: {  	s17 =	sshll.u32 s0, $0xA;
	s2 =	sadd.s32 s3, s2  }
0x8d: {  	s2 =	sadd.s32 s2, s17  }
0x8e: {  	[smem:$0x3FC1] =	sst s2  }
0x8f: {  	_ = 	snop  }
0x90: {  	s2 =	sld [smem:$0x3FC8]  }
0x91: {  	s18 =	sld [smem:$0x3FD0];
	(tm) =	ssettm $0x1  }
0x92: {  	s4 =	sld [smem:$0x3FFB];
	_ =	sdelay $0x3  }
0x93: {  	_ =	strace s4  }
0x94: {  	s4 =	sld [smem:$0x3FFC];
	_ =	sdelay $0x3  }
0x95: {  	_ =	strace s4  }
0x96: {  	s4 =	sld [smem:$0x3FFD];
	_ =	sdelay $0x3  }
0x97: {  	_ =	strace s4  }
0x98: {  	_ =	strace $0x8FFFFFFF  }
0x99: {  	s19 =	sld [smem:$0x3FDB];
	_ =	sdelay $0x1  }
0x9a: {  	s5 =	simm.s32 $_scs_section_size  }
0x9b: {  	s6 =	simm.s32 $_size__tile_overlayer_lowered;
	s7 =	simm.s32 $_tile_overlayer_lowered  }
0x9c: {  	s22 =	simm.s32 $0x1BFF;
	s21 =	sshll.u32 s7, $0x1;
	s4 =	sadd.s32 s5, s19  }
0x9d: {  	s8 =	simm.s32 $0x0;
	s20 =	sshll.u32 s6, $0x1;
	s6 =	sadd.s32 s21, s4  }
0x9e: {  	[timem:s8], [sflag:s22] =	dma.local [hbm:s6], s20  }
0x9f: {  	_ =	swait.ge [sflag:s22], s20  }
0xa0: {  	s5 =	ssub.s32 $0x0, s20;
	[sflag:s22] =	ssyncset.done $0x0  }
0xa1: {  	[sflag:s22] =	ssyncadd.s32 s5;
	_ =	sdelay $0x1  }
0xa2: {  	s23 =	simm.s32 $0x1B8B  }
0xa3: {  	_ =	swait.ge [sflag:s23], $0x1  }
0xa4: {  	[sflag:s23] =	ssyncset.done $0x0  }
0xa5: {  	s25 =	simm.s32 $0x1B8E;
	s24 =	sld [smem:$0x3FFE];
	[sflag:s23] =	ssyncadd.s32 $0xFFFFFFFF  }
0xa6: {  	s26 =	simm.s32 $execute0_lowered;
	[smem:$0x3FD2] =	sst s25  }
0xa7: {  	s6 =	sshll.u32 s26, $0x1;
	_ =	strace $0x80000049;
	[dreg:$0x1] =	wrdreg $0xFFFFFFFF  }
0xa8: {  	s28 =	simm.s32 $_size_execute0_lowered;
	s4 =	sadd.s32 s4, s6;
	[dreg:$0x0] =	wrdreg $0x0  }
0xa9: {  	s6 =	sshll.u32 s28, $0x1;
	[dreg:$0x2] =	wrdreg s4  }
0xaa: {  	[dreg:$0x3] =	wrdreg s6  }
0xab: {  	[dreg:$0x4] =	wrdreg $0xC0  }
0xac: {  	_ =	task [dreg:s8], $0x5FFFF  }
0xad: {  	[dreg:$0x1] =	wrdreg $0xFFFFFFFF  }
0xae: {  	[dreg:$0x0] =	wrdreg $0x60  }
0xaf: {  	[dreg:$0x2] =	wrdreg s18  }
0xb0: {  	[dreg:$0x3] =	wrdreg s24  }
0xb1: {  	[dreg:$0x4] =	wrdreg s2  }
0xb2: {  	[dreg:$0x5] =	wrdreg $0x9  }
0xb3: {  	_ =	task.clear_ibuf [dreg:s8], $0x6FFFF;
	_ =	strace $0x90000049  }
0xb4: {  	s29 =	simm.s32 $0x9;
	_ =	strace $0x8000004B  }
0xb5: {  	_ =	swait.ge [sflag:s29], $0x1  }
0xb6: {  	[sflag:s29] =	ssyncadd.s32 $0xFFFFFFFF  }
0xb7: {  	_ =	strace $0x9000004B  }
0xb8: {  	_ =	sfence  }
0xb9: {  	s30 =	sld [smem:$0x0];
	_ =	sdelay $0x2  }
0xba: {  	s31 =	sshll.u32 s1, $0xD;
	s1 =	sshrl.u32 s1, $0x2  }
0xbb: {  	s3 =	sand.u32 $0x4000, s31;
	s1 =	sadd.s32 s1, s30  }
0xbc: {  	s0 =	sor.u32 s3, s0;
	s1 =	sshll.u32 s1, $0x11  }
0xbd: {  	s0 =	sor.u32 s1, s0  }
0xbe: {  	s0 =	sadd.s32 $0x8F2B, s0  }
0xbf: {  	[sflag:s0] =	ssyncadd.remote.s32 $0x1  }
0xc0: {  	_ =	sfence.sel $0xFFFF  }
0xc1: {  	[dreg:$0x0] =	wrdreg $0xFFFFFFFF;
	(pc) =	sbr.abs _section_cstart, $3  }
0xc2: {  	[dreg:$0x1] =	wrdreg $0xFFFFFFFF  }
0xc3: {  	_ =	task.clear_ibuf [dreg:s8], $0x2FFFF;
	_ =	strace $0x9FFFFFFF  }
0xc4: {  	(tm) =	ssettm $0x7FFFFFFF  }
0xc5: {  	_ =	shalt  }
tec
execute0_lowered:
.L_overlay_start_1:
0x0: {  	(tag) =	ssettag $0x1  }
0x1: {  	s1 =	rddreg [dreg:$0x0]  }
0x2: {  	s8 =	rddreg [dreg:$0x1]  }
0x3: {  	s4 =	rddreg [dreg:$0x2];
	s2 =	srdreg.scid  }
0x4: {  	s0 =	rddreg [dreg:$0x3];
	s3 =	simm.s32 $0x0;
	s9 =	sand.u32 $0x1, s2  }
0x5: {  	[smem:$0x7FF] =	sst s3;
	s2 =	stileid.u32;
	s5 =	sshll.u32 s9, $0x6  }
0x6: {  	_ =	strace $0x8000004A;
	s6 =	sshll.u32 s2, $0x7;
	s4 =	sadd.s32 s4, s5  }
0x7: {  	s5 =	simm.s32 $0x2;
	s4 =	sadd.s32 s6, s4;
	s6 =	simm.s32 $0x200  }
0x8: {  	[tilespmem:s6], [sflag:$0x2] =	stream.linear.gather [hbm4b:s4+s3], $0x200, $0x38;
	[tilespmem:$0x10400] =	vst v63  }
0x9: {  	_ =	swait.ge [sflag:s5], $0x200  }
0xa: {  	[sflag:s5] =	ssyncset.done $0x0  }
0xb: {  	s7 =	sadd.s32 $0x41800, s8;
	s11 =	ssub.s32 $0x2, s9;
	[sflag:s5] =	ssyncadd.s32 $0xFFFFFE00  }
0xc: {  	[tilespmem:s3], [sflag:$0x2] =	stream.indirect.gather [hbm4b:s7+s6], $0x1, s6, s6, $0xb8;
	[tilespmem:$0x10400] =	vst v63  }
0xd: {  	s10 =	simm.s32 $0x1;
	s12 =	sshrl.u32 s11, $0x1;
	_ =	swait.ge [sflag:s5], $0x200  }
0xe: {  	s8 =	sadd.s32 $0x1800, s8;
	s11 =	ssub.s32 s11, s12;
	[sflag:s5] =	ssyncset.done $0x0  }
0xf: {  	s9 =	simm.s32 $0x400;
	s11 =	smax.u32 s11, $0x1;
	[sflag:s5] =	ssyncadd.s32 $0xFFFFFE00  }
0x10: {  	[tilespmem:s9], [sflag:$0x1] =	stream.indirect.gather [hbm4b:s8+s6], $0x80, s3, s6, $0xb8;
	[tilespmem:$0x10400] =	vst v63  }
0x11: {  	p0 =	sne.s32 s11, $0x1;
	_ =	swait.ge [sflag:s10], $0x10000  }
.Ltmp0:
0x12: {  	[sflag:s10] =	ssyncset.done $0x0;
	(pc) =	sbr.rel @!p0 .LBB2_2-.Ltmp0, $4  }
0x13: {  	[sflag:s10] =	ssyncadd.s32 $0xFFFF0000  }
0x14: {  	[hbm4b:s1+s6] =	stream.indirect.scatter [tilespmem:s9], [sflag:$0x2], $0x80, s6, s6, $0xb8;
	[tilespmem:$0x10400] =	vst v63  }
0x15: {  	_ =	swait.ge [sflag:s5], $0x10000  }
0x16: {  	s11 =	sadd.s32 $0xFFFFFFFF, s11;
	[sflag:s5] =	ssyncset.done $0x0  }
.LBB2_1:
0x17: {  	p0 =	sne.s32 s11, $0x1;
	s11 =	sadd.s32 $0xFFFFFFFF, s11;
	[sflag:s5] =	ssyncadd.s32 $0xFFFF0000  }
0x18: {  	[tilespmem:s6], [sflag:$0x2] =	stream.linear.gather [hbm4b:s4+s3], $0x200, $0x38;
	[tilespmem:$0x10400] =	vst v63  }
0x19: {  	_ =	swait.ge [sflag:s5], $0x200  }
0x1a: {  	[sflag:s5] =	ssyncset.done $0x0  }
0x1b: {  	[sflag:s5] =	ssyncadd.s32 $0xFFFFFE00  }
0x1c: {  	[tilespmem:s3], [sflag:$0x2] =	stream.indirect.gather [hbm4b:s7+s6], $0x1, s6, s6, $0xb8;
	[tilespmem:$0x10400] =	vst v63  }
0x1d: {  	_ =	swait.ge [sflag:s5], $0x200  }
0x1e: {  	[sflag:s5] =	ssyncset.done $0x0  }
0x1f: {  	[sflag:s5] =	ssyncadd.s32 $0xFFFFFE00  }
0x20: {  	[tilespmem:s9], [sflag:$0x1] =	stream.indirect.gather [hbm4b:s8+s6], $0x80, s3, s6, $0xb8;
	[tilespmem:$0x10400] =	vst v63  }
0x21: {  	_ =	swait.ge [sflag:s10], $0x10000  }
.Ltmp1:
0x22: {  	[sflag:s10] =	ssyncset.done $0x0;
	(pc) =	sbr.rel @p0 .LBB2_1-.Ltmp1, $4  }
0x23: {  	[sflag:s10] =	ssyncadd.s32 $0xFFFF0000  }
0x24: {  	[hbm4b:s1+s6] =	stream.indirect.scatter [tilespmem:s9], [sflag:$0x2], $0x80, s6, s6, $0xb8;
	[tilespmem:$0x10400] =	vst v63  }
0x25: {  	_ =	swait.ge [sflag:s5], $0x10000  }
0x26: {  	[sflag:s5] =	ssyncset.done $0x0  }
.LBB2_2:
0x27: {  	[sflag:s5] =	ssyncadd.s32 $0xFFFF0000  }
0x28: {  	_ =	sfence.sel $0x180000  }
0x29: {  	[bflag:$0x0] =	sbarrier.arrive $0xFFFF  }
0x2a: {  	p0 =	sne.s32 s2, $0x0;
	_ =	strace $0x9000004A  }
0x2b: {  	s0 =	sadd.s32 @!p0 $0x100000, s0;
	[bflag:$0x2] =	sbarrier.arrive $0xFFFF  }
0x2c: {  	[sflag:s0] =	ssyncadd.tile.s32 @!p0 $0x1;
	_ =	shalt  }
.Lfunc_end2:
_tile_overlayer_lowered:
.L_overlay_start_2:
0x2d: {  	(tag) =	ssettag $0x2  }
0x2e: {  	s0 =	rddreg [dreg:$0x0];
	s2 =	stileid.u32  }
0x2f: {  	s1 =	rddreg [dreg:$0x1];
	p0 =	sne.s32 s2, $0x0  }
0x30: {  	s3 =	rddreg [dreg:$0x2];
	[bflag:$0x3] =	sbarrier.arrive $0xFFFF;
	s2 =	simm.s32 @!p0 $0x1C02  }
0x31: {  	[timem:s3], [sflag:s2] =	dma.local @!p0 [hbm:s0], s1  }
0x32: {  	s0 =	simm.s32 @!p0 $0x2  }
0x33: {  	_ =	swait.ge @!p0 [sflag:s0], s1  }
0x34: {  	s1 =	ssub.s32 @!p0 $0x0, s1;
	[sflag:s0] =	ssyncset.done @!p0 $0x0  }
0x35: {  	[sflag:s0] =	ssyncadd.s32 @!p0 s1  }
0x36: {  	[bflag:$0x3] =	sbarrier.arrive $0xFFFF  }
0x37: {  	_ =	shalt  }

</sc_bundles>
